<compile_context>
chip_gen: v7x
topology: tpu7x:2x2x1
jax: 0.10.2.dev20260603
libtpu: 0.0.44.dev20260713+nightly
codegen_flags: <defaults>
</compile_context>

<pallas_src>
import functools

import jax
import jax.numpy as jnp
from jax import lax
from jax.experimental import pallas as pl
from jax.experimental.pallas import tpu as pltpu
from jax.experimental.pallas import tpu_sc as plsc

QS = 0.01


def _knn_kernel(coords_ref, xyz_ref, feats_ref, w_ref, idx_ref, wt_ref, f_ref,
                *, nt, m):
    b = pl.program_id(0)

    @pl.when(pl.program_id(1) == 0)
    def _():
        fm = jax.lax.dot(feats_ref[0], w_ref[...],
                         preferred_element_type=jnp.float32)
        f_ref[0] = jnp.concatenate([fm, jnp.zeros_like(fm)], axis=1)

    src = coords_ref[0].astype(jnp.float32) * QS
    q = xyz_ref[0]
    d2 = ((q[:, 0:1] - src[0:1, :]) ** 2
          + (q[:, 1:2] - src[1:2, :]) ** 2
          + (q[:, 2:3] - src[2:3, :]) ** 2)

    iota = jax.lax.broadcasted_iota(jnp.int32, (nt, m), 1).astype(jnp.float32)
    inf = jnp.float32(jnp.inf)
    mf = jnp.float32(m)

    d = d2
    ixs = []
    rs = []
    rsum = jnp.zeros((nt, 1), jnp.float32)
    for k in range(3):
        mn = jnp.min(d, axis=1, keepdims=True)
        ix = jnp.min(jnp.where(d == mn, iota, mf), axis=1, keepdims=True)
        r = 1.0 / (mn + 1e-8)
        rsum = rsum + r
        ixs.append(ix)
        rs.append(r)
        if k < 2:
            d = jnp.where(iota == ix, inf, d)
    inv_norm = 1.0 / rsum

    base = b * m
    idx_ref[0] = jnp.concatenate(
        [ix.astype(jnp.int32) + base for ix in ixs], axis=1)
    out_dim = wt_ref.shape[-1]
    for k in range(3):
        wt_ref[0, k] = jnp.broadcast_to(rs[k] * inv_norm,
                                        (ixs[0].shape[0], out_dim))


CHUNK = 64
QPW = 256
NCHUNK = QPW // CHUNK


def _sc_interp_kernel(f_hbm, idx_hbm, w_hbm, out_hbm,
                      i0, i1, i2,
                      r0a, r1a, r2a, r0b, r1b, r2b,
                      w0a, w1a, w2a, w0b, w1b, w2b,
                      outv, gsem, wsem):
    nc = 2
    wid = lax.axis_index("s") * nc + lax.axis_index("c")
    b = wid // 16
    qoff = (wid % 16) * QPW
    n = 4096
    rows = ((r0a, r1a, r2a), (r0b, r1b, r2b))
    wvs = ((w0a, w1a, w2a), (w0b, w1b, w2b))
    idxs = (i0, i1, i2)
    for k in range(3):
        pltpu.sync_copy(idx_hbm.at[pl.ds((b * 3 + k) * n + qoff, QPW)],
                        idxs[k])

    def fire(h, buf):
        handles = []
        for k in range(3):
            handles.append(pltpu.async_copy(
                f_hbm.at[idxs[k].at[pl.ds(h * CHUNK, CHUNK)]],
                rows[buf][k], gsem))
            handles.append(pltpu.async_copy(
                w_hbm.at[pl.ds((b * 3 + k) * n + qoff + h * CHUNK, CHUNK)],
                wvs[buf][k], wsem))
        return handles

    pend = fire(0, 0)
    for h in range(NCHUNK):
        cur = h % 2
        for hd in pend:
            hd.wait()
        if h + 1 < NCHUNK:
            pend = fire(h + 1, 1 - cur)
        ra, rb, rc = rows[cur]
        wa, wb, wc = wvs[cur]

        def body(q, carry, *, ra=ra, rb=rb, rc=rc, wa=wa, wb=wb, wc=wc):
            for cg in range(4):
                sl = pl.ds(cg * 16, 16)
                acc = (ra[q, sl] * wa[q, sl]
                       + rb[q, sl] * wb[q, sl]
                       + rc[q, sl] * wc[q, sl])
                outv[q, sl] = acc
            return carry

        jax.lax.fori_loop(0, CHUNK, body, 0)
        pltpu.sync_copy(outv,
                        out_hbm.at[pl.ds(wid * QPW + h * CHUNK, CHUNK)])


def _ln_kernel(interp_ref, g_ref, b_ref, out_ref):
    x = interp_ref[0]
    mu = jnp.mean(x, axis=1, keepdims=True)
    xc = x - mu
    var = jnp.mean(xc * xc, axis=1, keepdims=True)
    xn = xc / jnp.sqrt(var + 1e-6) * g_ref[0] + b_ref[0]
    inv_sqrt2 = jnp.float32(0.7071067811865476)
    act = 0.5 * xn * (1.0 + jax.lax.erf(xn * inv_sqrt2))
    out_ref[0] = act.T


def kernel(feats, coords, xyz_t, W, ln_gamma, ln_beta):
    B, M, INP = feats.shape
    _, N, _ = xyz_t.shape
    OUT = W.shape[1]
    NT = 1024

    coords_t = jnp.transpose(coords, (0, 2, 1))
    gamma2 = ln_gamma.reshape(1, OUT)
    beta2 = ln_beta.reshape(1, OUT)

    knn_i, knn_w, f = pl.pallas_call(
        functools.partial(_knn_kernel, nt=NT, m=M),
        grid=(B, N // NT),
        in_specs=[
            pl.BlockSpec((1, 3, M), lambda b, n: (b, 0, 0)),
            pl.BlockSpec((1, NT, 3), lambda b, n: (b, n, 0)),
            pl.BlockSpec((1, M, INP), lambda b, n: (b, 0, 0)),
            pl.BlockSpec((INP, OUT), lambda b, n: (0, 0)),
        ],
        out_specs=[
            pl.BlockSpec((1, NT, 3), lambda b, n: (b, n, 0)),
            pl.BlockSpec((1, 3, NT, OUT), lambda b, n: (b, 0, n, 0)),
            pl.BlockSpec((1, M, 2 * OUT), lambda b, n: (b, 0, 0)),
        ],
        out_shape=[
            jax.ShapeDtypeStruct((B, N, 3), jnp.int32),
            jax.ShapeDtypeStruct((B, 3, N, OUT), jnp.float32),
            jax.ShapeDtypeStruct((B, M, 2 * OUT), jnp.float32),
        ],
        compiler_params=pltpu.CompilerParams(
            dimension_semantics=("arbitrary", "arbitrary"),
        ),
    )(coords_t, xyz_t, feats, W)

    f_flat = f.reshape(B * M, 2 * OUT)
    idx_t = jnp.transpose(knn_i, (0, 2, 1)).reshape(-1)
    w_t = knn_w.reshape(B * 3 * N, OUT)

    mesh = plsc.VectorSubcoreMesh(core_axis_name="c", subcore_axis_name="s")
    sc_call = functools.partial(
        pl.kernel, mesh=mesh,
        out_type=jax.ShapeDtypeStruct((B * N, OUT), jnp.float32),
        scratch_types=(
            [pltpu.VMEM((QPW,), jnp.int32)] * 3
            + [pltpu.VMEM((CHUNK, 2 * OUT), jnp.float32)] * 6
            + [pltpu.VMEM((CHUNK, OUT), jnp.float32)] * 6
            + [pltpu.VMEM((CHUNK, OUT), jnp.float32)]
            + [pltpu.SemaphoreType.DMA, pltpu.SemaphoreType.DMA]
        ),
    )(_sc_interp_kernel)
    interp = sc_call(f_flat, idx_t, w_t).reshape(B, N, OUT)

    NT3 = 2048
    out = pl.pallas_call(
        _ln_kernel,
        grid=(B, N // NT3),
        in_specs=[
            pl.BlockSpec((1, NT3, OUT), lambda b, n: (b, n, 0)),
            pl.BlockSpec((1, OUT), lambda b, n: (0, 0)),
            pl.BlockSpec((1, OUT), lambda b, n: (0, 0)),
        ],
        out_specs=pl.BlockSpec((1, OUT, NT3), lambda b, n: (b, 0, n)),
        out_shape=jax.ShapeDtypeStruct((B, OUT, N), jnp.float32),
    )(interp, gamma2, beta2)
    return out

# --- scband reference (transcript-rebuilt; emitter-appended) ---
"""Pipeline reference for scband-ftu-19550691131520 (READ-ONLY COPY).

The authoritative reference and input builder live on the scoring server;
editing this copy changes nothing except your own understanding.
"""

import jax, jax.numpy as jnp
import numpy as np

B, N, M = 2, 4096, 4096
INP, OUT = 64, 64
QS = 0.01


def setup_inputs(seed: int = 0) -> dict:
    key = jax.random.key(seed)
    k1, k2, k3, k4 = jax.random.split(key, 4)
    feats = jax.random.normal(k1, (B, M, INP), dtype=jnp.float32)
    coords = jax.random.randint(k2, (B, M, 3), 0, 100, dtype=jnp.int32)
    xyz_t = jax.random.uniform(k3, (B, N, 3), dtype=jnp.float32)
    W = jax.random.normal(k4, (INP, OUT), dtype=jnp.float32) * (2.0 / INP) ** 0.5
    ln_gamma = jnp.ones((OUT,), dtype=jnp.float32)
    ln_beta = jnp.zeros((OUT,), dtype=jnp.float32)
    return {"feats": feats, "coords": coords, "xyz_t": xyz_t, "W": W,
            "ln_gamma": ln_gamma, "ln_beta": ln_beta}


def reference(feats, coords, xyz_t, W, ln_gamma, ln_beta):
    # 1x1 Minkowski conv == per-point linear map on features
    f = feats @ W  # [B, M, OUT]
    # sparse coords (integer, quantized) scaled back to metric space
    src = coords.astype(jnp.float32) * QS  # [B, M, 3]
    # pairwise squared distances query->source (pointops.nearestneighbor / three_nn)
    d2 = jnp.sum((xyz_t[:, :, None, :] - src[:, None, :, :]) ** 2, axis=-1)  # [B, N, M]
    neg_d, idx = jax.lax.top_k(-d2, 3)  # 3 nearest neighbors
    dist = -neg_d  # [B, N, 3]
    dist_recip = 1.0 / (dist + 1e-8)
    norm = jnp.sum(dist_recip, axis=2, keepdims=True)
    weight = dist_recip / norm  # [B, N, 3]
    # gather neighbor features and interpolate (pointops.interpolation)
    gathered = jax.vmap(lambda fb, ib: fb[ib])(f, idx)  # [B, N, 3, OUT]
    interp = jnp.sum(gathered * weight[..., None], axis=2)  # [B, N, OUT]
    # LayerNorm (eps=1e-6) over channel dim, then exact GELU
    mu = jnp.mean(interp, axis=-1, keepdims=True)
    var = jnp.var(interp, axis=-1, keepdims=True)
    xn = (interp - mu) / jnp.sqrt(var + 1e-6) * ln_gamma + ln_beta
    out = jax.nn.gelu(xn, approximate=False)
    # module returns [B, C, N] (channels-first, contiguous)
    return jnp.transpose(out, (0, 2, 1))

if __name__ == "__main__":
    import jax
    _d = setup_inputs()
    print(jax.jit(kernel)(*tuple(_d.values())))

</pallas_src>

<mosaic_0001>
#map = affine_map<(d0, d1) -> (0, 0)>
#map1 = affine_map<(d0, d1) -> (0)>
module attributes {stable_mosaic.version = 14 : i64} {
  func.func @_sc_interp_kernel(%arg0: i32, %arg1: i32, %arg2: memref<8192x128xf32, #tpu.memory_space<hbm>>, %arg3: memref<24576xi32, #tpu.memory_space<hbm>>, %arg4: memref<24576x64xf32, #tpu.memory_space<hbm>>, %arg5: memref<8192x64xf32, #tpu.memory_space<hbm>>, %arg6: memref<256xi32, #tpu.memory_space<vmem>>, %arg7: memref<256xi32, #tpu.memory_space<vmem>>, %arg8: memref<256xi32, #tpu.memory_space<vmem>>, %arg9: memref<64x128xf32, #tpu.memory_space<vmem>>, %arg10: memref<64x128xf32, #tpu.memory_space<vmem>>, %arg11: memref<64x128xf32, #tpu.memory_space<vmem>>, %arg12: memref<64x128xf32, #tpu.memory_space<vmem>>, %arg13: memref<64x128xf32, #tpu.memory_space<vmem>>, %arg14: memref<64x128xf32, #tpu.memory_space<vmem>>, %arg15: memref<64x64xf32, #tpu.memory_space<vmem>>, %arg16: memref<64x64xf32, #tpu.memory_space<vmem>>, %arg17: memref<64x64xf32, #tpu.memory_space<vmem>>, %arg18: memref<64x64xf32, #tpu.memory_space<vmem>>, %arg19: memref<64x64xf32, #tpu.memory_space<vmem>>, %arg20: memref<64x64xf32, #tpu.memory_space<vmem>>, %arg21: memref<64x64xf32, #tpu.memory_space<vmem>>, %arg22: memref<!tpu.dma_semaphore, #tpu.memory_space<semaphore_mem>>, %arg23: memref<!tpu.dma_semaphore, #tpu.memory_space<semaphore_mem>>) attributes {dimension_semantics = [#tpu.dimension_semantics<core_parallel>, #tpu.dimension_semantics<subcore_parallel>], iteration_bounds = array<i64: 2, 16>, scalar_prefetch = 0 : i64, scratch_operands = 18 : i64, tpu.core_type = #tpu.core_type<sc_vector_subcore>, window_params = [{transform_indices = #map}, {transform_indices = #map1}, {transform_indices = #map}, {transform_indices = #map}]} {
    %mul3A = arith.constant 2 : i32
    %mul3A_0 = arith.muli %arg1, %mul3A : i32
    %add3A = arith.addi %mul3A_0, %arg0 : i32
    %jit3A = arith.constant 16 : i32
    %div3A = arith.divsi %add3A, %jit3A : i32
    %sign3A = arith.constant 0 : i32
    %sign3A_1 = arith.cmpi sgt, %add3A, %sign3A : i32
    %sign3A_2 = arith.extui %sign3A_1 : i1 to i32
    %sign3A_3 = arith.constant 0 : i32
    %sign3A_4 = arith.cmpi slt, %add3A, %sign3A_3 : i32
    %sign3A_5 = arith.extui %sign3A_4 : i1 to i32
    %sign3A_6 = arith.subi %sign3A_2, %sign3A_5 : i32
    %sign3A_7 = arith.constant 0 : i32
    %sign3A_8 = arith.cmpi sgt, %jit3A, %sign3A_7 : i32
    %sign3A_9 = arith.extui %sign3A_8 : i1 to i32
    %sign3A_10 = arith.constant 0 : i32
    %sign3A_11 = arith.cmpi slt, %jit3A, %sign3A_10 : i32
    %sign3A_12 = arith.extui %sign3A_11 : i1 to i32
    %sign3A_13 = arith.subi %sign3A_9, %sign3A_12 : i32
    %ne3A = arith.cmpi ne, %sign3A_6, %sign3A_13 : i32
    %rem3A = arith.remsi %add3A, %jit3A : i32
    %ne3A_14 = arith.constant 0 : i32
    %ne3A_15 = arith.cmpi ne, %rem3A, %ne3A_14 : i32
    %and3A = arith.andi %ne3A, %ne3A_15 : i1
    %sub3A = arith.constant 1 : i32
    %sub3A_16 = arith.subi %div3A, %sub3A : i32
    %select_n3A = arith.select %and3A, %sub3A_16, %div3A : i32
    %jit3A_17 = arith.constant 16 : i32
    %eq3A = arith.constant 0 : i32
    %eq3A_18 = arith.cmpi eq, %jit3A_17, %eq3A : i32
    %jit3A_19 = arith.constant 1 : i32
    %select_n3A_20 = arith.select %eq3A_18, %jit3A_19, %jit3A_17 : i32
    %rem3A_21 = arith.remsi %add3A, %select_n3A_20 : i32
    %ne3A_22 = arith.constant 0 : i32
    %ne3A_23 = arith.cmpi ne, %rem3A_21, %ne3A_22 : i32
    %lt3A = arith.constant 0 : i32
    %lt3A_24 = arith.cmpi slt, %rem3A_21, %lt3A : i32
    %lt3A_25 = arith.constant 0 : i32
    %lt3A_26 = arith.cmpi slt, %select_n3A_20, %lt3A_25 : i32
    %ne3A_27 = arith.xori %lt3A_24, %lt3A_26 : i1
    %and3A_28 = arith.andi %ne3A_27, %ne3A_23 : i1
    %add3A_29 = arith.addi %rem3A_21, %select_n3A_20 : i32
    %select_n3A_30 = arith.select %and3A_28, %add3A_29, %rem3A_21 : i32
    %mul3A_31 = arith.constant 256 : i32
    %mul3A_32 = arith.muli %select_n3A_30, %mul3A_31 : i32
    %mul3A_33 = arith.constant 3 : i32
    %mul3A_34 = arith.muli %select_n3A, %mul3A_33 : i32
    %add3A_35 = arith.constant 0 : i32
    %add3A_36 = arith.addi %mul3A_34, %add3A_35 : i32
    %mul3A_37 = arith.constant 4096 : i32
    %mul3A_38 = arith.muli %add3A_36, %mul3A_37 : i32
    %add3A_39 = arith.addi %mul3A_38, %mul3A_32 : i32
    "tpu.region"() ({
      %run_scoped3A = tpu.sem_alloc : memref<!tpu.dma_semaphore, #tpu.memory_space<semaphore_mem>>
      %dma_start3A_415 = tpu.memref_slice %arg3[%add3A_39] : memref<24576xi32, #tpu.memory_space<hbm>> -> memref<256xi32, #tpu.memory_space<hbm>>
      %dma_start3A_416 = tpu.memref_slice %arg3[%add3A_39] : memref<24576xi32, #tpu.memory_space<hbm>> -> memref<256xi32, #tpu.memory_space<hbm>>
      tpu.enqueue_dma source(%dma_start3A_416 : memref<256xi32, #tpu.memory_space<hbm>>) target(%arg6 : memref<256xi32, #tpu.memory_space<vmem>>) target_semaphore(%run_scoped3A : memref<!tpu.dma_semaphore, #tpu.memory_space<semaphore_mem>>)
      %dma_wait3A_417 = tpu.memref_slice %arg3[%add3A_39] : memref<24576xi32, #tpu.memory_space<hbm>> -> memref<256xi32, #tpu.memory_space<hbm>>
      %dma_wait3A_418 = tpu.memref_slice %arg3[%add3A_39] : memref<24576xi32, #tpu.memory_space<hbm>> -> memref<256xi32, #tpu.memory_space<hbm>>
      tpu.wait_dma2 semaphore(%run_scoped3A : memref<!tpu.dma_semaphore, #tpu.memory_space<semaphore_mem>>) src(%dma_wait3A_418 : memref<256xi32, #tpu.memory_space<hbm>>) dst(%arg6 : memref<256xi32, #tpu.memory_space<vmem>>)
      tpu.yield
    }) : () -> ()
    %mul3A_40 = arith.constant 3 : i32
    %mul3A_41 = arith.muli %select_n3A, %mul3A_40 : i32
    %add3A_42 = arith.constant 1 : i32
    %add3A_43 = arith.addi %mul3A_41, %add3A_42 : i32
    %mul3A_44 = arith.constant 4096 : i32
    %mul3A_45 = arith.muli %add3A_43, %mul3A_44 : i32
    %add3A_46 = arith.addi %mul3A_45, %mul3A_32 : i32
    "tpu.region"() ({
      %run_scoped3A = tpu.sem_alloc : memref<!tpu.dma_semaphore, #tpu.memory_space<semaphore_mem>>
      %dma_start3A_415 = tpu.memref_slice %arg3[%add3A_46] : memref<24576xi32, #tpu.memory_space<hbm>> -> memref<256xi32, #tpu.memory_space<hbm>>
      %dma_start3A_416 = tpu.memref_slice %arg3[%add3A_46] : memref<24576xi32, #tpu.memory_space<hbm>> -> memref<256xi32, #tpu.memory_space<hbm>>
      tpu.enqueue_dma source(%dma_start3A_416 : memref<256xi32, #tpu.memory_space<hbm>>) target(%arg7 : memref<256xi32, #tpu.memory_space<vmem>>) target_semaphore(%run_scoped3A : memref<!tpu.dma_semaphore, #tpu.memory_space<semaphore_mem>>)
      %dma_wait3A_417 = tpu.memref_slice %arg3[%add3A_46] : memref<24576xi32, #tpu.memory_space<hbm>> -> memref<256xi32, #tpu.memory_space<hbm>>
      %dma_wait3A_418 = tpu.memref_slice %arg3[%add3A_46] : memref<24576xi32, #tpu.memory_space<hbm>> -> memref<256xi32, #tpu.memory_space<hbm>>
      tpu.wait_dma2 semaphore(%run_scoped3A : memref<!tpu.dma_semaphore, #tpu.memory_space<semaphore_mem>>) src(%dma_wait3A_418 : memref<256xi32, #tpu.memory_space<hbm>>) dst(%arg7 : memref<256xi32, #tpu.memory_space<vmem>>)
      tpu.yield
    }) : () -> ()
    %mul3A_47 = arith.constant 3 : i32
    %mul3A_48 = arith.muli %select_n3A, %mul3A_47 : i32
    %add3A_49 = arith.constant 2 : i32
    %add3A_50 = arith.addi %mul3A_48, %add3A_49 : i32
    %mul3A_51 = arith.constant 4096 : i32
    %mul3A_52 = arith.muli %add3A_50, %mul3A_51 : i32
    %add3A_53 = arith.addi %mul3A_52, %mul3A_32 : i32
    "tpu.region"() ({
      %run_scoped3A = tpu.sem_alloc : memref<!tpu.dma_semaphore, #tpu.memory_space<semaphore_mem>>
      %dma_start3A_415 = tpu.memref_slice %arg3[%add3A_53] : memref<24576xi32, #tpu.memory_space<hbm>> -> memref<256xi32, #tpu.memory_space<hbm>>
      %dma_start3A_416 = tpu.memref_slice %arg3[%add3A_53] : memref<24576xi32, #tpu.memory_space<hbm>> -> memref<256xi32, #tpu.memory_space<hbm>>
      tpu.enqueue_dma source(%dma_start3A_416 : memref<256xi32, #tpu.memory_space<hbm>>) target(%arg8 : memref<256xi32, #tpu.memory_space<vmem>>) target_semaphore(%run_scoped3A : memref<!tpu.dma_semaphore, #tpu.memory_space<semaphore_mem>>)
      %dma_wait3A_417 = tpu.memref_slice %arg3[%add3A_53] : memref<24576xi32, #tpu.memory_space<hbm>> -> memref<256xi32, #tpu.memory_space<hbm>>
      %dma_wait3A_418 = tpu.memref_slice %arg3[%add3A_53] : memref<24576xi32, #tpu.memory_space<hbm>> -> memref<256xi32, #tpu.memory_space<hbm>>
      tpu.wait_dma2 semaphore(%run_scoped3A : memref<!tpu.dma_semaphore, #tpu.memory_space<semaphore_mem>>) src(%dma_wait3A_418 : memref<256xi32, #tpu.memory_space<hbm>>) dst(%arg8 : memref<256xi32, #tpu.memory_space<vmem>>)
      tpu.yield
    }) : () -> ()
    %dma_start3A = arith.constant 0 : i32
    %dma_start3A_54 = tpu.memref_slice %arg6[%dma_start3A] : memref<256xi32, #tpu.memory_space<vmem>> -> memref<64xi32, #tpu.memory_space<vmem>>
    %dma_start3A_55 = arith.constant 0 : i32
    %dma_start3A_56 = arith.constant 0 : i32
    %dma_start3A_57 = tpu.memref_slice %arg2[%dma_start3A_55, %dma_start3A_56] : memref<8192x128xf32, #tpu.memory_space<hbm>> -> memref<8192x128xf32, #tpu.memory_space<hbm>>
    tpu.enqueue_indirect_dma source(%dma_start3A_57 : memref<8192x128xf32, #tpu.memory_space<hbm>>) target(%arg9 : memref<64x128xf32, #tpu.memory_space<vmem>>) offsets(%dma_start3A_54 : memref<64xi32, #tpu.memory_space<vmem>>) semaphore(%arg22 : memref<!tpu.dma_semaphore, #tpu.memory_space<semaphore_mem>>)
    %mul3A_58 = arith.constant 3 : i32
    %mul3A_59 = arith.muli %select_n3A, %mul3A_58 : i32
    %add3A_60 = arith.constant 0 : i32
    %add3A_61 = arith.addi %mul3A_59, %add3A_60 : i32
    %mul3A_62 = arith.constant 4096 : i32
    %mul3A_63 = arith.muli %add3A_61, %mul3A_62 : i32
    %add3A_64 = arith.addi %mul3A_63, %mul3A_32 : i32
    %add3A_65 = arith.constant 0 : i32
    %add3A_66 = arith.addi %add3A_64, %add3A_65 : i32
    %dma_start3A_67 = arith.constant 0 : i32
    %dma_start3A_68 = tpu.memref_slice %arg4[%add3A_66, %dma_start3A_67] : memref<24576x64xf32, #tpu.memory_space<hbm>> -> memref<64x64xf32, #tpu.memory_space<hbm>>
    %dma_start3A_69 = arith.constant 0 : i32
    %dma_start3A_70 = tpu.memref_slice %arg4[%add3A_66, %dma_start3A_69] : memref<24576x64xf32, #tpu.memory_space<hbm>> -> memref<64x64xf32, #tpu.memory_space<hbm>>
    tpu.enqueue_dma source(%dma_start3A_70 : memref<64x64xf32, #tpu.memory_space<hbm>>) target(%arg15 : memref<64x64xf32, #tpu.memory_space<vmem>>) target_semaphore(%arg23 : memref<!tpu.dma_semaphore, #tpu.memory_space<semaphore_mem>>)
    %dma_start3A_71 = arith.constant 0 : i32
    %dma_start3A_72 = tpu.memref_slice %arg7[%dma_start3A_71] : memref<256xi32, #tpu.memory_space<vmem>> -> memref<64xi32, #tpu.memory_space<vmem>>
    %dma_start3A_73 = arith.constant 0 : i32
    %dma_start3A_74 = arith.constant 0 : i32
    %dma_start3A_75 = tpu.memref_slice %arg2[%dma_start3A_73, %dma_start3A_74] : memref<8192x128xf32, #tpu.memory_space<hbm>> -> memref<8192x128xf32, #tpu.memory_space<hbm>>
    tpu.enqueue_indirect_dma source(%dma_start3A_75 : memref<8192x128xf32, #tpu.memory_space<hbm>>) target(%arg10 : memref<64x128xf32, #tpu.memory_space<vmem>>) offsets(%dma_start3A_72 : memref<64xi32, #tpu.memory_space<vmem>>) semaphore(%arg22 : memref<!tpu.dma_semaphore, #tpu.memory_space<semaphore_mem>>)
    %mul3A_76 = arith.constant 3 : i32
    %mul3A_77 = arith.muli %select_n3A, %mul3A_76 : i32
    %add3A_78 = arith.constant 1 : i32
    %add3A_79 = arith.addi %mul3A_77, %add3A_78 : i32
    %mul3A_80 = arith.constant 4096 : i32
    %mul3A_81 = arith.muli %add3A_79, %mul3A_80 : i32
    %add3A_82 = arith.addi %mul3A_81, %mul3A_32 : i32
    %add3A_83 = arith.constant 0 : i32
    %add3A_84 = arith.addi %add3A_82, %add3A_83 : i32
    %dma_start3A_85 = arith.constant 0 : i32
    %dma_start3A_86 = tpu.memref_slice %arg4[%add3A_84, %dma_start3A_85] : memref<24576x64xf32, #tpu.memory_space<hbm>> -> memref<64x64xf32, #tpu.memory_space<hbm>>
    %dma_start3A_87 = arith.constant 0 : i32
    %dma_start3A_88 = tpu.memref_slice %arg4[%add3A_84, %dma_start3A_87] : memref<24576x64xf32, #tpu.memory_space<hbm>> -> memref<64x64xf32, #tpu.memory_space<hbm>>
    tpu.enqueue_dma source(%dma_start3A_88 : memref<64x64xf32, #tpu.memory_space<hbm>>) target(%arg16 : memref<64x64xf32, #tpu.memory_space<vmem>>) target_semaphore(%arg23 : memref<!tpu.dma_semaphore, #tpu.memory_space<semaphore_mem>>)
    %dma_start3A_89 = arith.constant 0 : i32
    %dma_start3A_90 = tpu.memref_slice %arg8[%dma_start3A_89] : memref<256xi32, #tpu.memory_space<vmem>> -> memref<64xi32, #tpu.memory_space<vmem>>
    %dma_start3A_91 = arith.constant 0 : i32
    %dma_start3A_92 = arith.constant 0 : i32
    %dma_start3A_93 = tpu.memref_slice %arg2[%dma_start3A_91, %dma_start3A_92] : memref<8192x128xf32, #tpu.memory_space<hbm>> -> memref<8192x128xf32, #tpu.memory_space<hbm>>
    tpu.enqueue_indirect_dma source(%dma_start3A_93 : memref<8192x128xf32, #tpu.memory_space<hbm>>) target(%arg11 : memref<64x128xf32, #tpu.memory_space<vmem>>) offsets(%dma_start3A_90 : memref<64xi32, #tpu.memory_space<vmem>>) semaphore(%arg22 : memref<!tpu.dma_semaphore, #tpu.memory_space<semaphore_mem>>)
    %mul3A_94 = arith.constant 3 : i32
    %mul3A_95 = arith.muli %select_n3A, %mul3A_94 : i32
    %add3A_96 = arith.constant 2 : i32
    %add3A_97 = arith.addi %mul3A_95, %add3A_96 : i32
    %mul3A_98 = arith.constant 4096 : i32
    %mul3A_99 = arith.muli %add3A_97, %mul3A_98 : i32
    %add3A_100 = arith.addi %mul3A_99, %mul3A_32 : i32
    %add3A_101 = arith.constant 0 : i32
    %add3A_102 = arith.addi %add3A_100, %add3A_101 : i32
    %dma_start3A_103 = arith.constant 0 : i32
    %dma_start3A_104 = tpu.memref_slice %arg4[%add3A_102, %dma_start3A_103] : memref<24576x64xf32, #tpu.memory_space<hbm>> -> memref<64x64xf32, #tpu.memory_space<hbm>>
    %dma_start3A_105 = arith.constant 0 : i32
    %dma_start3A_106 = tpu.memref_slice %arg4[%add3A_102, %dma_start3A_105] : memref<24576x64xf32, #tpu.memory_space<hbm>> -> memref<64x64xf32, #tpu.memory_space<hbm>>
    tpu.enqueue_dma source(%dma_start3A_106 : memref<64x64xf32, #tpu.memory_space<hbm>>) target(%arg17 : memref<64x64xf32, #tpu.memory_space<vmem>>) target_semaphore(%arg23 : memref<!tpu.dma_semaphore, #tpu.memory_space<semaphore_mem>>)
    %dma_wait3A = arith.constant 0 : i32
    %dma_wait3A_107 = tpu.memref_slice %arg6[%dma_wait3A] : memref<256xi32, #tpu.memory_space<vmem>> -> memref<64xi32, #tpu.memory_space<vmem>>
    %dma_wait3A_108 = arith.constant 0 : i32
    %dma_wait3A_109 = arith.constant 0 : i32
    %dma_wait3A_110 = tpu.memref_slice %arg2[%dma_wait3A_108, %dma_wait3A_109] : memref<8192x128xf32, #tpu.memory_space<hbm>> -> memref<8192x128xf32, #tpu.memory_space<hbm>>
    tpu.wait_indirect_dma semaphore(%arg22 : memref<!tpu.dma_semaphore, #tpu.memory_space<semaphore_mem>>) src(%dma_wait3A_110 : memref<8192x128xf32, #tpu.memory_space<hbm>>) dst(%arg9 : memref<64x128xf32, #tpu.memory_space<vmem>>)
    %dma_wait3A_111 = arith.constant 0 : i32
    %dma_wait3A_112 = tpu.memref_slice %arg4[%add3A_66, %dma_wait3A_111] : memref<24576x64xf32, #tpu.memory_space<hbm>> -> memref<64x64xf32, #tpu.memory_space<hbm>>
    %dma_wait3A_113 = arith.constant 0 : i32
    %dma_wait3A_114 = tpu.memref_slice %arg4[%add3A_66, %dma_wait3A_113] : memref<24576x64xf32, #tpu.memory_space<hbm>> -> memref<64x64xf32, #tpu.memory_space<hbm>>
    tpu.wait_dma2 semaphore(%arg23 : memref<!tpu.dma_semaphore, #tpu.memory_space<semaphore_mem>>) src(%dma_wait3A_114 : memref<64x64xf32, #tpu.memory_space<hbm>>) dst(%arg15 : memref<64x64xf32, #tpu.memory_space<vmem>>)
    %dma_wait3A_115 = arith.constant 0 : i32
    %dma_wait3A_116 = tpu.memref_slice %arg7[%dma_wait3A_115] : memref<256xi32, #tpu.memory_space<vmem>> -> memref<64xi32, #tpu.memory_space<vmem>>
    %dma_wait3A_117 = arith.constant 0 : i32
    %dma_wait3A_118 = arith.constant 0 : i32
    %dma_wait3A_119 = tpu.memref_slice %arg2[%dma_wait3A_117, %dma_wait3A_118] : memref<8192x128xf32, #tpu.memory_space<hbm>> -> memref<8192x128xf32, #tpu.memory_space<hbm>>
    tpu.wait_indirect_dma semaphore(%arg22 : memref<!tpu.dma_semaphore, #tpu.memory_space<semaphore_mem>>) src(%dma_wait3A_119 : memref<8192x128xf32, #tpu.memory_space<hbm>>) dst(%arg10 : memref<64x128xf32, #tpu.memory_space<vmem>>)
    %dma_wait3A_120 = arith.constant 0 : i32
    %dma_wait3A_121 = tpu.memref_slice %arg4[%add3A_84, %dma_wait3A_120] : memref<24576x64xf32, #tpu.memory_space<hbm>> -> memref<64x64xf32, #tpu.memory_space<hbm>>
    %dma_wait3A_122 = arith.constant 0 : i32
    %dma_wait3A_123 = tpu.memref_slice %arg4[%add3A_84, %dma_wait3A_122] : memref<24576x64xf32, #tpu.memory_space<hbm>> -> memref<64x64xf32, #tpu.memory_space<hbm>>
    tpu.wait_dma2 semaphore(%arg23 : memref<!tpu.dma_semaphore, #tpu.memory_space<semaphore_mem>>) src(%dma_wait3A_123 : memref<64x64xf32, #tpu.memory_space<hbm>>) dst(%arg16 : memref<64x64xf32, #tpu.memory_space<vmem>>)
    %dma_wait3A_124 = arith.constant 0 : i32
    %dma_wait3A_125 = tpu.memref_slice %arg8[%dma_wait3A_124] : memref<256xi32, #tpu.memory_space<vmem>> -> memref<64xi32, #tpu.memory_space<vmem>>
    %dma_wait3A_126 = arith.constant 0 : i32
    %dma_wait3A_127 = arith.constant 0 : i32
    %dma_wait3A_128 = tpu.memref_slice %arg2[%dma_wait3A_126, %dma_wait3A_127] : memref<8192x128xf32, #tpu.memory_space<hbm>> -> memref<8192x128xf32, #tpu.memory_space<hbm>>
    tpu.wait_indirect_dma semaphore(%arg22 : memref<!tpu.dma_semaphore, #tpu.memory_space<semaphore_mem>>) src(%dma_wait3A_128 : memref<8192x128xf32, #tpu.memory_space<hbm>>) dst(%arg11 : memref<64x128xf32, #tpu.memory_space<vmem>>)
    %dma_wait3A_129 = arith.constant 0 : i32
    %dma_wait3A_130 = tpu.memref_slice %arg4[%add3A_102, %dma_wait3A_129] : memref<24576x64xf32, #tpu.memory_space<hbm>> -> memref<64x64xf32, #tpu.memory_space<hbm>>
    %dma_wait3A_131 = arith.constant 0 : i32
    %dma_wait3A_132 = tpu.memref_slice %arg4[%add3A_102, %dma_wait3A_131] : memref<24576x64xf32, #tpu.memory_space<hbm>> -> memref<64x64xf32, #tpu.memory_space<hbm>>
    tpu.wait_dma2 semaphore(%arg23 : memref<!tpu.dma_semaphore, #tpu.memory_space<semaphore_mem>>) src(%dma_wait3A_132 : memref<64x64xf32, #tpu.memory_space<hbm>>) dst(%arg17 : memref<64x64xf32, #tpu.memory_space<vmem>>)
    %dma_start3A_133 = arith.constant 64 : i32
    %dma_start3A_134 = tpu.memref_slice %arg6[%dma_start3A_133] : memref<256xi32, #tpu.memory_space<vmem>> -> memref<64xi32, #tpu.memory_space<vmem>>
    %dma_start3A_135 = arith.constant 0 : i32
    %dma_start3A_136 = arith.constant 0 : i32
    %dma_start3A_137 = tpu.memref_slice %arg2[%dma_start3A_135, %dma_start3A_136] : memref<8192x128xf32, #tpu.memory_space<hbm>> -> memref<8192x128xf32, #tpu.memory_space<hbm>>
    tpu.enqueue_indirect_dma source(%dma_start3A_137 : memref<8192x128xf32, #tpu.memory_space<hbm>>) target(%arg12 : memref<64x128xf32, #tpu.memory_space<vmem>>) offsets(%dma_start3A_134 : memref<64xi32, #tpu.memory_space<vmem>>) semaphore(%arg22 : memref<!tpu.dma_semaphore, #tpu.memory_space<semaphore_mem>>)
    %mul3A_138 = arith.constant 3 : i32
    %mul3A_139 = arith.muli %select_n3A, %mul3A_138 : i32
    %add3A_140 = arith.constant 0 : i32
    %add3A_141 = arith.addi %mul3A_139, %add3A_140 : i32
    %mul3A_142 = arith.constant 4096 : i32
    %mul3A_143 = arith.muli %add3A_141, %mul3A_142 : i32
    %add3A_144 = arith.addi %mul3A_143, %mul3A_32 : i32
    %add3A_145 = arith.constant 64 : i32
    %add3A_146 = arith.addi %add3A_144, %add3A_145 : i32
    %dma_start3A_147 = arith.constant 0 : i32
    %dma_start3A_148 = tpu.memref_slice %arg4[%add3A_146, %dma_start3A_147] : memref<24576x64xf32, #tpu.memory_space<hbm>> -> memref<64x64xf32, #tpu.memory_space<hbm>>
    %dma_start3A_149 = arith.constant 0 : i32
    %dma_start3A_150 = tpu.memref_slice %arg4[%add3A_146, %dma_start3A_149] : memref<24576x64xf32, #tpu.memory_space<hbm>> -> memref<64x64xf32, #tpu.memory_space<hbm>>
    tpu.enqueue_dma source(%dma_start3A_150 : memref<64x64xf32, #tpu.memory_space<hbm>>) target(%arg18 : memref<64x64xf32, #tpu.memory_space<vmem>>) target_semaphore(%arg23 : memref<!tpu.dma_semaphore, #tpu.memory_space<semaphore_mem>>)
    %dma_start3A_151 = arith.constant 64 : i32
    %dma_start3A_152 = tpu.memref_slice %arg7[%dma_start3A_151] : memref<256xi32, #tpu.memory_space<vmem>> -> memref<64xi32, #tpu.memory_space<vmem>>
    %dma_start3A_153 = arith.constant 0 : i32
    %dma_start3A_154 = arith.constant 0 : i32
    %dma_start3A_155 = tpu.memref_slice %arg2[%dma_start3A_153, %dma_start3A_154] : memref<8192x128xf32, #tpu.memory_space<hbm>> -> memref<8192x128xf32, #tpu.memory_space<hbm>>
    tpu.enqueue_indirect_dma source(%dma_start3A_155 : memref<8192x128xf32, #tpu.memory_space<hbm>>) target(%arg13 : memref<64x128xf32, #tpu.memory_space<vmem>>) offsets(%dma_start3A_152 : memref<64xi32, #tpu.memory_space<vmem>>) semaphore(%arg22 : memref<!tpu.dma_semaphore, #tpu.memory_space<semaphore_mem>>)
    %mul3A_156 = arith.constant 3 : i32
    %mul3A_157 = arith.muli %select_n3A, %mul3A_156 : i32
    %add3A_158 = arith.constant 1 : i32
    %add3A_159 = arith.addi %mul3A_157, %add3A_158 : i32
    %mul3A_160 = arith.constant 4096 : i32
    %mul3A_161 = arith.muli %add3A_159, %mul3A_160 : i32
    %add3A_162 = arith.addi %mul3A_161, %mul3A_32 : i32
    %add3A_163 = arith.constant 64 : i32
    %add3A_164 = arith.addi %add3A_162, %add3A_163 : i32
    %dma_start3A_165 = arith.constant 0 : i32
    %dma_start3A_166 = tpu.memref_slice %arg4[%add3A_164, %dma_start3A_165] : memref<24576x64xf32, #tpu.memory_space<hbm>> -> memref<64x64xf32, #tpu.memory_space<hbm>>
    %dma_start3A_167 = arith.constant 0 : i32
    %dma_start3A_168 = tpu.memref_slice %arg4[%add3A_164, %dma_start3A_167] : memref<24576x64xf32, #tpu.memory_space<hbm>> -> memref<64x64xf32, #tpu.memory_space<hbm>>
    tpu.enqueue_dma source(%dma_start3A_168 : memref<64x64xf32, #tpu.memory_space<hbm>>) target(%arg19 : memref<64x64xf32, #tpu.memory_space<vmem>>) target_semaphore(%arg23 : memref<!tpu.dma_semaphore, #tpu.memory_space<semaphore_mem>>)
    %dma_start3A_169 = arith.constant 64 : i32
    %dma_start3A_170 = tpu.memref_slice %arg8[%dma_start3A_169] : memref<256xi32, #tpu.memory_space<vmem>> -> memref<64xi32, #tpu.memory_space<vmem>>
    %dma_start3A_171 = arith.constant 0 : i32
    %dma_start3A_172 = arith.constant 0 : i32
    %dma_start3A_173 = tpu.memref_slice %arg2[%dma_start3A_171, %dma_start3A_172] : memref<8192x128xf32, #tpu.memory_space<hbm>> -> memref<8192x128xf32, #tpu.memory_space<hbm>>
    tpu.enqueue_indirect_dma source(%dma_start3A_173 : memref<8192x128xf32, #tpu.memory_space<hbm>>) target(%arg14 : memref<64x128xf32, #tpu.memory_space<vmem>>) offsets(%dma_start3A_170 : memref<64xi32, #tpu.memory_space<vmem>>) semaphore(%arg22 : memref<!tpu.dma_semaphore, #tpu.memory_space<semaphore_mem>>)
    %mul3A_174 = arith.constant 3 : i32
    %mul3A_175 = arith.muli %select_n3A, %mul3A_174 : i32
    %add3A_176 = arith.constant 2 : i32
    %add3A_177 = arith.addi %mul3A_175, %add3A_176 : i32
    %mul3A_178 = arith.constant 4096 : i32
    %mul3A_179 = arith.muli %add3A_177, %mul3A_178 : i32
    %add3A_180 = arith.addi %mul3A_179, %mul3A_32 : i32
    %add3A_181 = arith.constant 64 : i32
    %add3A_182 = arith.addi %add3A_180, %add3A_181 : i32
    %dma_start3A_183 = arith.constant 0 : i32
    %dma_start3A_184 = tpu.memref_slice %arg4[%add3A_182, %dma_start3A_183] : memref<24576x64xf32, #tpu.memory_space<hbm>> -> memref<64x64xf32, #tpu.memory_space<hbm>>
    %dma_start3A_185 = arith.constant 0 : i32
    %dma_start3A_186 = tpu.memref_slice %arg4[%add3A_182, %dma_start3A_185] : memref<24576x64xf32, #tpu.memory_space<hbm>> -> memref<64x64xf32, #tpu.memory_space<hbm>>
    tpu.enqueue_dma source(%dma_start3A_186 : memref<64x64xf32, #tpu.memory_space<hbm>>) target(%arg20 : memref<64x64xf32, #tpu.memory_space<vmem>>) target_semaphore(%arg23 : memref<!tpu.dma_semaphore, #tpu.memory_space<semaphore_mem>>)
    %scan3A = arith.constant 0 : i32
    %scan3A_187 = arith.constant 0 : i32
    %scan3A_188 = arith.constant 64 : i32
    %scan3A_189 = arith.addi %scan3A_187, %scan3A_188 : i32
    %scan3A_190 = arith.constant 1 : i32
    scf.for %scan3A_415 = %scan3A_187 to %scan3A_189 step %scan3A_190  : i32 {
      %get3A = arith.index_cast %scan3A_415 : i32 to index
      %get3A_416 = arith.constant 0 : index
      %get3A_417 = tpu.vector_load %arg9[%get3A, %get3A_416] {strides = array<i32>} : memref<64x128xf32, #tpu.memory_space<vmem>>, vector<1x16xf32>,
      %get3A_418 = vector.shape_cast %get3A_417 : vector<1x16xf32> to vector<16xf32>
      %get3A_419 = arith.index_cast %scan3A_415 : i32 to index
      %get3A_420 = arith.constant 0 : index
      %get3A_421 = tpu.vector_load %arg15[%get3A_419, %get3A_420] {strides = array<i32>} : memref<64x64xf32, #tpu.memory_space<vmem>>, vector<1x16xf32>,
      %get3A_422 = vector.shape_cast %get3A_421 : vector<1x16xf32> to vector<16xf32>
      %mul3A_423 = arith.mulf %get3A_418, %get3A_422 : vector<16xf32>
      %get3A_424 = arith.index_cast %scan3A_415 : i32 to index
      %get3A_425 = arith.constant 0 : index
      %get3A_426 = tpu.vector_load %arg10[%get3A_424, %get3A_425] {strides = array<i32>} : memref<64x128xf32, #tpu.memory_space<vmem>>, vector<1x16xf32>,
      %get3A_427 = vector.shape_cast %get3A_426 : vector<1x16xf32> to vector<16xf32>
      %get3A_428 = arith.index_cast %scan3A_415 : i32 to index
      %get3A_429 = arith.constant 0 : index
      %get3A_430 = tpu.vector_load %arg16[%get3A_428, %get3A_429] {strides = array<i32>} : memref<64x64xf32, #tpu.memory_space<vmem>>, vector<1x16xf32>,
      %get3A_431 = vector.shape_cast %get3A_430 : vector<1x16xf32> to vector<16xf32>
      %mul3A_432 = arith.mulf %get3A_427, %get3A_431 : vector<16xf32>
      %add3A_433 = arith.addf %mul3A_423, %mul3A_432 : vector<16xf32>
      %get3A_434 = arith.index_cast %scan3A_415 : i32 to index
      %get3A_435 = arith.constant 0 : index
      %get3A_436 = tpu.vector_load %arg11[%get3A_434, %get3A_435] {strides = array<i32>} : memref<64x128xf32, #tpu.memory_space<vmem>>, vector<1x16xf32>,
      %get3A_437 = vector.shape_cast %get3A_436 : vector<1x16xf32> to vector<16xf32>
      %get3A_438 = arith.index_cast %scan3A_415 : i32 to index
      %get3A_439 = arith.constant 0 : index
      %get3A_440 = tpu.vector_load %arg17[%get3A_438, %get3A_439] {strides = array<i32>} : memref<64x64xf32, #tpu.memory_space<vmem>>, vector<1x16xf32>,
      %get3A_441 = vector.shape_cast %get3A_440 : vector<1x16xf32> to vector<16xf32>
      %mul3A_442 = arith.mulf %get3A_437, %get3A_441 : vector<16xf32>
      %add3A_443 = arith.addf %add3A_433, %mul3A_442 : vector<16xf32>
      %swap3A = arith.index_cast %scan3A_415 : i32 to index
      %swap3A_444 = arith.constant 0 : index
      %swap3A_445 = tpu.vector_load %arg21[%swap3A, %swap3A_444] {strides = array<i32>} : memref<64x64xf32, #tpu.memory_space<vmem>>, vector<1x16xf32>,
      %swap3A_446 = vector.shape_cast %swap3A_445 : vector<1x16xf32> to vector<16xf32>
      %swap3A_447 = vector.shape_cast %add3A_443 : vector<16xf32> to vector<1x16xf32>
      tpu.vector_store %arg21[%swap3A, %swap3A_444], %swap3A_447 {strides = array<i32>} : memref<64x64xf32, #tpu.memory_space<vmem>>, vector<1x16xf32>,
      %get3A_448 = arith.index_cast %scan3A_415 : i32 to index
      %get3A_449 = arith.constant 16 : index
      %get3A_450 = tpu.vector_load %arg9[%get3A_448, %get3A_449] {strides = array<i32>} : memref<64x128xf32, #tpu.memory_space<vmem>>, vector<1x16xf32>,
      %get3A_451 = vector.shape_cast %get3A_450 : vector<1x16xf32> to vector<16xf32>
      %get3A_452 = arith.index_cast %scan3A_415 : i32 to index
      %get3A_453 = arith.constant 16 : index
      %get3A_454 = tpu.vector_load %arg15[%get3A_452, %get3A_453] {strides = array<i32>} : memref<64x64xf32, #tpu.memory_space<vmem>>, vector<1x16xf32>,
      %get3A_455 = vector.shape_cast %get3A_454 : vector<1x16xf32> to vector<16xf32>
      %mul3A_456 = arith.mulf %get3A_451, %get3A_455 : vector<16xf32>
      %get3A_457 = arith.index_cast %scan3A_415 : i32 to index
      %get3A_458 = arith.constant 16 : index
      %get3A_459 = tpu.vector_load %arg10[%get3A_457, %get3A_458] {strides = array<i32>} : memref<64x128xf32, #tpu.memory_space<vmem>>, vector<1x16xf32>,
      %get3A_460 = vector.shape_cast %get3A_459 : vector<1x16xf32> to vector<16xf32>
      %get3A_461 = arith.index_cast %scan3A_415 : i32 to index
      %get3A_462 = arith.constant 16 : index
      %get3A_463 = tpu.vector_load %arg16[%get3A_461, %get3A_462] {strides = array<i32>} : memref<64x64xf32, #tpu.memory_space<vmem>>, vector<1x16xf32>,
      %get3A_464 = vector.shape_cast %get3A_463 : vector<1x16xf32> to vector<16xf32>
      %mul3A_465 = arith.mulf %get3A_460, %get3A_464 : vector<16xf32>
      %add3A_466 = arith.addf %mul3A_456, %mul3A_465 : vector<16xf32>
      %get3A_467 = arith.index_cast %scan3A_415 : i32 to index
      %get3A_468 = arith.constant 16 : index
      %get3A_469 = tpu.vector_load %arg11[%get3A_467, %get3A_468] {strides = array<i32>} : memref<64x128xf32, #tpu.memory_space<vmem>>, vector<1x16xf32>,
      %get3A_470 = vector.shape_cast %get3A_469 : vector<1x16xf32> to vector<16xf32>
      %get3A_471 = arith.index_cast %scan3A_415 : i32 to index
      %get3A_472 = arith.constant 16 : index
      %get3A_473 = tpu.vector_load %arg17[%get3A_471, %get3A_472] {strides = array<i32>} : memref<64x64xf32, #tpu.memory_space<vmem>>, vector<1x16xf32>,
      %get3A_474 = vector.shape_cast %get3A_473 : vector<1x16xf32> to vector<16xf32>
      %mul3A_475 = arith.mulf %get3A_470, %get3A_474 : vector<16xf32>
      %add3A_476 = arith.addf %add3A_466, %mul3A_475 : vector<16xf32>
      %swap3A_477 = arith.index_cast %scan3A_415 : i32 to index
      %swap3A_478 = arith.constant 16 : index
      %swap3A_479 = tpu.vector_load %arg21[%swap3A_477, %swap3A_478] {strides = array<i32>} : memref<64x64xf32, #tpu.memory_space<vmem>>, vector<1x16xf32>,
      %swap3A_480 = vector.shape_cast %swap3A_479 : vector<1x16xf32> to vector<16xf32>
      %swap3A_481 = vector.shape_cast %add3A_476 : vector<16xf32> to vector<1x16xf32>
      tpu.vector_store %arg21[%swap3A_477, %swap3A_478], %swap3A_481 {strides = array<i32>} : memref<64x64xf32, #tpu.memory_space<vmem>>, vector<1x16xf32>,
      %get3A_482 = arith.index_cast %scan3A_415 : i32 to index
      %get3A_483 = arith.constant 32 : index
      %get3A_484 = tpu.vector_load %arg9[%get3A_482, %get3A_483] {strides = array<i32>} : memref<64x128xf32, #tpu.memory_space<vmem>>, vector<1x16xf32>,
      %get3A_485 = vector.shape_cast %get3A_484 : vector<1x16xf32> to vector<16xf32>
      %get3A_486 = arith.index_cast %scan3A_415 : i32 to index
      %get3A_487 = arith.constant 32 : index
      %get3A_488 = tpu.vector_load %arg15[%get3A_486, %get3A_487] {strides = array<i32>} : memref<64x64xf32, #tpu.memory_space<vmem>>, vector<1x16xf32>,
      %get3A_489 = vector.shape_cast %get3A_488 : vector<1x16xf32> to vector<16xf32>
      %mul3A_490 = arith.mulf %get3A_485, %get3A_489 : vector<16xf32>
      %get3A_491 = arith.index_cast %scan3A_415 : i32 to index
      %get3A_492 = arith.constant 32 : index
      %get3A_493 = tpu.vector_load %arg10[%get3A_491, %get3A_492] {strides = array<i32>} : memref<64x128xf32, #tpu.memory_space<vmem>>, vector<1x16xf32>,
      %get3A_494 = vector.shape_cast %get3A_493 : vector<1x16xf32> to vector<16xf32>
      %get3A_495 = arith.index_cast %scan3A_415 : i32 to index
      %get3A_496 = arith.constant 32 : index
      %get3A_497 = tpu.vector_load %arg16[%get3A_495, %get3A_496] {strides = array<i32>} : memref<64x64xf32, #tpu.memory_space<vmem>>, vector<1x16xf32>,
      %get3A_498 = vector.shape_cast %get3A_497 : vector<1x16xf32> to vector<16xf32>
      %mul3A_499 = arith.mulf %get3A_494, %get3A_498 : vector<16xf32>
      %add3A_500 = arith.addf %mul3A_490, %mul3A_499 : vector<16xf32>
      %get3A_501 = arith.index_cast %scan3A_415 : i32 to index
      %get3A_502 = arith.constant 32 : index
      %get3A_503 = tpu.vector_load %arg11[%get3A_501, %get3A_502] {strides = array<i32>} : memref<64x128xf32, #tpu.memory_space<vmem>>, vector<1x16xf32>,
      %get3A_504 = vector.shape_cast %get3A_503 : vector<1x16xf32> to vector<16xf32>
      %get3A_505 = arith.index_cast %scan3A_415 : i32 to index
      %get3A_506 = arith.constant 32 : index
      %get3A_507 = tpu.vector_load %arg17[%get3A_505, %get3A_506] {strides = array<i32>} : memref<64x64xf32, #tpu.memory_space<vmem>>, vector<1x16xf32>,
      %get3A_508 = vector.shape_cast %get3A_507 : vector<1x16xf32> to vector<16xf32>
      %mul3A_509 = arith.mulf %get3A_504, %get3A_508 : vector<16xf32>
      %add3A_510 = arith.addf %add3A_500, %mul3A_509 : vector<16xf32>
      %swap3A_511 = arith.index_cast %scan3A_415 : i32 to index
      %swap3A_512 = arith.constant 32 : index
      %swap3A_513 = tpu.vector_load %arg21[%swap3A_511, %swap3A_512] {strides = array<i32>} : memref<64x64xf32, #tpu.memory_space<vmem>>, vector<1x16xf32>,
      %swap3A_514 = vector.shape_cast %swap3A_513 : vector<1x16xf32> to vector<16xf32>
      %swap3A_515 = vector.shape_cast %add3A_510 : vector<16xf32> to vector<1x16xf32>
      tpu.vector_store %arg21[%swap3A_511, %swap3A_512], %swap3A_515 {strides = array<i32>} : memref<64x64xf32, #tpu.memory_space<vmem>>, vector<1x16xf32>,
      %get3A_516 = arith.index_cast %scan3A_415 : i32 to index
      %get3A_517 = arith.constant 48 : index
      %get3A_518 = tpu.vector_load %arg9[%get3A_516, %get3A_517] {strides = array<i32>} : memref<64x128xf32, #tpu.memory_space<vmem>>, vector<1x16xf32>,
      %get3A_519 = vector.shape_cast %get3A_518 : vector<1x16xf32> to vector<16xf32>
      %get3A_520 = arith.index_cast %scan3A_415 : i32 to index
      %get3A_521 = arith.constant 48 : index
      %get3A_522 = tpu.vector_load %arg15[%get3A_520, %get3A_521] {strides = array<i32>} : memref<64x64xf32, #tpu.memory_space<vmem>>, vector<1x16xf32>,
      %get3A_523 = vector.shape_cast %get3A_522 : vector<1x16xf32> to vector<16xf32>
      %mul3A_524 = arith.mulf %get3A_519, %get3A_523 : vector<16xf32>
      %get3A_525 = arith.index_cast %scan3A_415 : i32 to index
      %get3A_526 = arith.constant 48 : index
      %get3A_527 = tpu.vector_load %arg10[%get3A_525, %get3A_526] {strides = array<i32>} : memref<64x128xf32, #tpu.memory_space<vmem>>, vector<1x16xf32>,
      %get3A_528 = vector.shape_cast %get3A_527 : vector<1x16xf32> to vector<16xf32>
      %get3A_529 = arith.index_cast %scan3A_415 : i32 to index
      %get3A_530 = arith.constant 48 : index
      %get3A_531 = tpu.vector_load %arg16[%get3A_529, %get3A_530] {strides = array<i32>} : memref<64x64xf32, #tpu.memory_space<vmem>>, vector<1x16xf32>,
      %get3A_532 = vector.shape_cast %get3A_531 : vector<1x16xf32> to vector<16xf32>
      %mul3A_533 = arith.mulf %get3A_528, %get3A_532 : vector<16xf32>
      %add3A_534 = arith.addf %mul3A_524, %mul3A_533 : vector<16xf32>
      %get3A_535 = arith.index_cast %scan3A_415 : i32 to index
      %get3A_536 = arith.constant 48 : index
      %get3A_537 = tpu.vector_load %arg11[%get3A_535, %get3A_536] {strides = array<i32>} : memref<64x128xf32, #tpu.memory_space<vmem>>, vector<1x16xf32>,
      %get3A_538 = vector.shape_cast %get3A_537 : vector<1x16xf32> to vector<16xf32>
      %get3A_539 = arith.index_cast %scan3A_415 : i32 to index
      %get3A_540 = arith.constant 48 : index
      %get3A_541 = tpu.vector_load %arg17[%get3A_539, %get3A_540] {strides = array<i32>} : memref<64x64xf32, #tpu.memory_space<vmem>>, vector<1x16xf32>,
      %get3A_542 = vector.shape_cast %get3A_541 : vector<1x16xf32> to vector<16xf32>
      %mul3A_543 = arith.mulf %get3A_538, %get3A_542 : vector<16xf32>
      %add3A_544 = arith.addf %add3A_534, %mul3A_543 : vector<16xf32>
      %swap3A_545 = arith.index_cast %scan3A_415 : i32 to index
      %swap3A_546 = arith.constant 48 : index
      %swap3A_547 = tpu.vector_load %arg21[%swap3A_545, %swap3A_546] {strides = array<i32>} : memref<64x64xf32, #tpu.memory_space<vmem>>, vector<1x16xf32>,
      %swap3A_548 = vector.shape_cast %swap3A_547 : vector<1x16xf32> to vector<16xf32>
      %swap3A_549 = vector.shape_cast %add3A_544 : vector<16xf32> to vector<1x16xf32>
      tpu.vector_store %arg21[%swap3A_545, %swap3A_546], %swap3A_549 {strides = array<i32>} : memref<64x64xf32, #tpu.memory_space<vmem>>, vector<1x16xf32>,
    }
    %scan3A_191 = arith.constant 64 : i32
    %mul3A_192 = arith.constant 256 : i32
    %mul3A_193 = arith.muli %add3A, %mul3A_192 : i32
    %add3A_194 = arith.constant 0 : i32
    %add3A_195 = arith.addi %mul3A_193, %add3A_194 : i32
    "tpu.region"() ({
      %run_scoped3A = tpu.sem_alloc : memref<!tpu.dma_semaphore, #tpu.memory_space<semaphore_mem>>
      %dma_start3A_415 = arith.constant 0 : i32
      %dma_start3A_416 = tpu.memref_slice %arg5[%add3A_195, %dma_start3A_415] : memref<8192x64xf32, #tpu.memory_space<hbm>> -> memref<64x64xf32, #tpu.memory_space<hbm>>
      %dma_start3A_417 = arith.constant 0 : i32
      %dma_start3A_418 = tpu.memref_slice %arg5[%add3A_195, %dma_start3A_417] : memref<8192x64xf32, #tpu.memory_space<hbm>> -> memref<64x64xf32, #tpu.memory_space<hbm>>
      tpu.enqueue_dma source(%arg21 : memref<64x64xf32, #tpu.memory_space<vmem>>) target(%dma_start3A_418 : memref<64x64xf32, #tpu.memory_space<hbm>>) target_semaphore(%run_scoped3A : memref<!tpu.dma_semaphore, #tpu.memory_space<semaphore_mem>>)
      %dma_wait3A_419 = arith.constant 0 : i32
      %dma_wait3A_420 = tpu.memref_slice %arg5[%add3A_195, %dma_wait3A_419] : memref<8192x64xf32, #tpu.memory_space<hbm>> -> memref<64x64xf32, #tpu.memory_space<hbm>>
      %dma_wait3A_421 = arith.constant 0 : i32
      %dma_wait3A_422 = tpu.memref_slice %arg5[%add3A_195, %dma_wait3A_421] : memref<8192x64xf32, #tpu.memory_space<hbm>> -> memref<64x64xf32, #tpu.memory_space<hbm>>
      tpu.wait_dma2 semaphore(%run_scoped3A : memref<!tpu.dma_semaphore, #tpu.memory_space<semaphore_mem>>) src(%arg21 : memref<64x64xf32, #tpu.memory_space<vmem>>) dst(%dma_wait3A_422 : memref<64x64xf32, #tpu.memory_space<hbm>>)
      tpu.yield
    }) : () -> ()
    %dma_wait3A_196 = arith.constant 64 : i32
    %dma_wait3A_197 = tpu.memref_slice %arg6[%dma_wait3A_196] : memref<256xi32, #tpu.memory_space<vmem>> -> memref<64xi32, #tpu.memory_space<vmem>>
    %dma_wait3A_198 = arith.constant 0 : i32
    %dma_wait3A_199 = arith.constant 0 : i32
    %dma_wait3A_200 = tpu.memref_slice %arg2[%dma_wait3A_198, %dma_wait3A_199] : memref<8192x128xf32, #tpu.memory_space<hbm>> -> memref<8192x128xf32, #tpu.memory_space<hbm>>
    tpu.wait_indirect_dma semaphore(%arg22 : memref<!tpu.dma_semaphore, #tpu.memory_space<semaphore_mem>>) src(%dma_wait3A_200 : memref<8192x128xf32, #tpu.memory_space<hbm>>) dst(%arg12 : memref<64x128xf32, #tpu.memory_space<vmem>>)
    %dma_wait3A_201 = arith.constant 0 : i32
    %dma_wait3A_202 = tpu.memref_slice %arg4[%add3A_146, %dma_wait3A_201] : memref<24576x64xf32, #tpu.memory_space<hbm>> -> memref<64x64xf32, #tpu.memory_space<hbm>>
    %dma_wait3A_203 = arith.constant 0 : i32
    %dma_wait3A_204 = tpu.memref_slice %arg4[%add3A_146, %dma_wait3A_203] : memref<24576x64xf32, #tpu.memory_space<hbm>> -> memref<64x64xf32, #tpu.memory_space<hbm>>
    tpu.wait_dma2 semaphore(%arg23 : memref<!tpu.dma_semaphore, #tpu.memory_space<semaphore_mem>>) src(%dma_wait3A_204 : memref<64x64xf32, #tpu.memory_space<hbm>>) dst(%arg18 : memref<64x64xf32, #tpu.memory_space<vmem>>)
    %dma_wait3A_205 = arith.constant 64 : i32
    %dma_wait3A_206 = tpu.memref_slice %arg7[%dma_wait3A_205] : memref<256xi32, #tpu.memory_space<vmem>> -> memref<64xi32, #tpu.memory_space<vmem>>
    %dma_wait3A_207 = arith.constant 0 : i32
    %dma_wait3A_208 = arith.constant 0 : i32
    %dma_wait3A_209 = tpu.memref_slice %arg2[%dma_wait3A_207, %dma_wait3A_208] : memref<8192x128xf32, #tpu.memory_space<hbm>> -> memref<8192x128xf32, #tpu.memory_space<hbm>>
    tpu.wait_indirect_dma semaphore(%arg22 : memref<!tpu.dma_semaphore, #tpu.memory_space<semaphore_mem>>) src(%dma_wait3A_209 : memref<8192x128xf32, #tpu.memory_space<hbm>>) dst(%arg13 : memref<64x128xf32, #tpu.memory_space<vmem>>)
    %dma_wait3A_210 = arith.constant 0 : i32
    %dma_wait3A_211 = tpu.memref_slice %arg4[%add3A_164, %dma_wait3A_210] : memref<24576x64xf32, #tpu.memory_space<hbm>> -> memref<64x64xf32, #tpu.memory_space<hbm>>
    %dma_wait3A_212 = arith.constant 0 : i32
    %dma_wait3A_213 = tpu.memref_slice %arg4[%add3A_164, %dma_wait3A_212] : memref<24576x64xf32, #tpu.memory_space<hbm>> -> memref<64x64xf32, #tpu.memory_space<hbm>>
    tpu.wait_dma2 semaphore(%arg23 : memref<!tpu.dma_semaphore, #tpu.memory_space<semaphore_mem>>) src(%dma_wait3A_213 : memref<64x64xf32, #tpu.memory_space<hbm>>) dst(%arg19 : memref<64x64xf32, #tpu.memory_space<vmem>>)
    %dma_wait3A_214 = arith.constant 64 : i32
    %dma_wait3A_215 = tpu.memref_slice %arg8[%dma_wait3A_214] : memref<256xi32, #tpu.memory_space<vmem>> -> memref<64xi32, #tpu.memory_space<vmem>>
    %dma_wait3A_216 = arith.constant 0 : i32
    %dma_wait3A_217 = arith.constant 0 : i32
    %dma_wait3A_218 = tpu.memref_slice %arg2[%dma_wait3A_216, %dma_wait3A_217] : memref<8192x128xf32, #tpu.memory_space<hbm>> -> memref<8192x128xf32, #tpu.memory_space<hbm>>
    tpu.wait_indirect_dma semaphore(%arg22 : memref<!tpu.dma_semaphore, #tpu.memory_space<semaphore_mem>>) src(%dma_wait3A_218 : memref<8192x128xf32, #tpu.memory_space<hbm>>) dst(%arg14 : memref<64x128xf32, #tpu.memory_space<vmem>>)
    %dma_wait3A_219 = arith.constant 0 : i32
    %dma_wait3A_220 = tpu.memref_slice %arg4[%add3A_182, %dma_wait3A_219] : memref<24576x64xf32, #tpu.memory_space<hbm>> -> memref<64x64xf32, #tpu.memory_space<hbm>>
    %dma_wait3A_221 = arith.constant 0 : i32
    %dma_wait3A_222 = tpu.memref_slice %arg4[%add3A_182, %dma_wait3A_221] : memref<24576x64xf32, #tpu.memory_space<hbm>> -> memref<64x64xf32, #tpu.memory_space<hbm>>
    tpu.wait_dma2 semaphore(%arg23 : memref<!tpu.dma_semaphore, #tpu.memory_space<semaphore_mem>>) src(%dma_wait3A_222 : memref<64x64xf32, #tpu.memory_space<hbm>>) dst(%arg20 : memref<64x64xf32, #tpu.memory_space<vmem>>)
    %dma_start3A_223 = arith.constant 128 : i32
    %dma_start3A_224 = tpu.memref_slice %arg6[%dma_start3A_223] : memref<256xi32, #tpu.memory_space<vmem>> -> memref<64xi32, #tpu.memory_space<vmem>>
    %dma_start3A_225 = arith.constant 0 : i32
    %dma_start3A_226 = arith.constant 0 : i32
    %dma_start3A_227 = tpu.memref_slice %arg2[%dma_start3A_225, %dma_start3A_226] : memref<8192x128xf32, #tpu.memory_space<hbm>> -> memref<8192x128xf32, #tpu.memory_space<hbm>>
    tpu.enqueue_indirect_dma source(%dma_start3A_227 : memref<8192x128xf32, #tpu.memory_space<hbm>>) target(%arg9 : memref<64x128xf32, #tpu.memory_space<vmem>>) offsets(%dma_start3A_224 : memref<64xi32, #tpu.memory_space<vmem>>) semaphore(%arg22 : memref<!tpu.dma_semaphore, #tpu.memory_space<semaphore_mem>>)
    %mul3A_228 = arith.constant 3 : i32
    %mul3A_229 = arith.muli %select_n3A, %mul3A_228 : i32
    %add3A_230 = arith.constant 0 : i32
    %add3A_231 = arith.addi %mul3A_229, %add3A_230 : i32
    %mul3A_232 = arith.constant 4096 : i32
    %mul3A_233 = arith.muli %add3A_231, %mul3A_232 : i32
    %add3A_234 = arith.addi %mul3A_233, %mul3A_32 : i32
    %add3A_235 = arith.constant 128 : i32
    %add3A_236 = arith.addi %add3A_234, %add3A_235 : i32
    %dma_start3A_237 = arith.constant 0 : i32
    %dma_start3A_238 = tpu.memref_slice %arg4[%add3A_236, %dma_start3A_237] : memref<24576x64xf32, #tpu.memory_space<hbm>> -> memref<64x64xf32, #tpu.memory_space<hbm>>
    %dma_start3A_239 = arith.constant 0 : i32
    %dma_start3A_240 = tpu.memref_slice %arg4[%add3A_236, %dma_start3A_239] : memref<24576x64xf32, #tpu.memory_space<hbm>> -> memref<64x64xf32, #tpu.memory_space<hbm>>
    tpu.enqueue_dma source(%dma_start3A_240 : memref<64x64xf32, #tpu.memory_space<hbm>>) target(%arg15 : memref<64x64xf32, #tpu.memory_space<vmem>>) target_semaphore(%arg23 : memref<!tpu.dma_semaphore, #tpu.memory_space<semaphore_mem>>)
    %dma_start3A_241 = arith.constant 128 : i32
    %dma_start3A_242 = tpu.memref_slice %arg7[%dma_start3A_241] : memref<256xi32, #tpu.memory_space<vmem>> -> memref<64xi32, #tpu.memory_space<vmem>>
    %dma_start3A_243 = arith.constant 0 : i32
    %dma_start3A_244 = arith.constant 0 : i32
    %dma_start3A_245 = tpu.memref_slice %arg2[%dma_start3A_243, %dma_start3A_244] : memref<8192x128xf32, #tpu.memory_space<hbm>> -> memref<8192x128xf32, #tpu.memory_space<hbm>>
    tpu.enqueue_indirect_dma source(%dma_start3A_245 : memref<8192x128xf32, #tpu.memory_space<hbm>>) target(%arg10 : memref<64x128xf32, #tpu.memory_space<vmem>>) offsets(%dma_start3A_242 : memref<64xi32, #tpu.memory_space<vmem>>) semaphore(%arg22 : memref<!tpu.dma_semaphore, #tpu.memory_space<semaphore_mem>>)
    %mul3A_246 = arith.constant 3 : i32
    %mul3A_247 = arith.muli %select_n3A, %mul3A_246 : i32
    %add3A_248 = arith.constant 1 : i32
    %add3A_249 = arith.addi %mul3A_247, %add3A_248 : i32
    %mul3A_250 = arith.constant 4096 : i32
    %mul3A_251 = arith.muli %add3A_249, %mul3A_250 : i32
    %add3A_252 = arith.addi %mul3A_251, %mul3A_32 : i32
    %add3A_253 = arith.constant 128 : i32
    %add3A_254 = arith.addi %add3A_252, %add3A_253 : i32
    %dma_start3A_255 = arith.constant 0 : i32
    %dma_start3A_256 = tpu.memref_slice %arg4[%add3A_254, %dma_start3A_255] : memref<24576x64xf32, #tpu.memory_space<hbm>> -> memref<64x64xf32, #tpu.memory_space<hbm>>
    %dma_start3A_257 = arith.constant 0 : i32
    %dma_start3A_258 = tpu.memref_slice %arg4[%add3A_254, %dma_start3A_257] : memref<24576x64xf32, #tpu.memory_space<hbm>> -> memref<64x64xf32, #tpu.memory_space<hbm>>
    tpu.enqueue_dma source(%dma_start3A_258 : memref<64x64xf32, #tpu.memory_space<hbm>>) target(%arg16 : memref<64x64xf32, #tpu.memory_space<vmem>>) target_semaphore(%arg23 : memref<!tpu.dma_semaphore, #tpu.memory_space<semaphore_mem>>)
    %dma_start3A_259 = arith.constant 128 : i32
    %dma_start3A_260 = tpu.memref_slice %arg8[%dma_start3A_259] : memref<256xi32, #tpu.memory_space<vmem>> -> memref<64xi32, #tpu.memory_space<vmem>>
    %dma_start3A_261 = arith.constant 0 : i32
    %dma_start3A_262 = arith.constant 0 : i32
    %dma_start3A_263 = tpu.memref_slice %arg2[%dma_start3A_261, %dma_start3A_262] : memref<8192x128xf32, #tpu.memory_space<hbm>> -> memref<8192x128xf32, #tpu.memory_space<hbm>>
    tpu.enqueue_indirect_dma source(%dma_start3A_263 : memref<8192x128xf32, #tpu.memory_space<hbm>>) target(%arg11 : memref<64x128xf32, #tpu.memory_space<vmem>>) offsets(%dma_start3A_260 : memref<64xi32, #tpu.memory_space<vmem>>) semaphore(%arg22 : memref<!tpu.dma_semaphore, #tpu.memory_space<semaphore_mem>>)
    %mul3A_264 = arith.constant 3 : i32
    %mul3A_265 = arith.muli %select_n3A, %mul3A_264 : i32
    %add3A_266 = arith.constant 2 : i32
    %add3A_267 = arith.addi %mul3A_265, %add3A_266 : i32
    %mul3A_268 = arith.constant 4096 : i32
    %mul3A_269 = arith.muli %add3A_267, %mul3A_268 : i32
    %add3A_270 = arith.addi %mul3A_269, %mul3A_32 : i32
    %add3A_271 = arith.constant 128 : i32
    %add3A_272 = arith.addi %add3A_270, %add3A_271 : i32
    %dma_start3A_273 = arith.constant 0 : i32
    %dma_start3A_274 = tpu.memref_slice %arg4[%add3A_272, %dma_start3A_273] : memref<24576x64xf32, #tpu.memory_space<hbm>> -> memref<64x64xf32, #tpu.memory_space<hbm>>
    %dma_start3A_275 = arith.constant 0 : i32
    %dma_start3A_276 = tpu.memref_slice %arg4[%add3A_272, %dma_start3A_275] : memref<24576x64xf32, #tpu.memory_space<hbm>> -> memref<64x64xf32, #tpu.memory_space<hbm>>
    tpu.enqueue_dma source(%dma_start3A_276 : memref<64x64xf32, #tpu.memory_space<hbm>>) target(%arg17 : memref<64x64xf32, #tpu.memory_space<vmem>>) target_semaphore(%arg23 : memref<!tpu.dma_semaphore, #tpu.memory_space<semaphore_mem>>)
    %scan3A_277 = arith.constant 0 : i32
    %scan3A_278 = arith.constant 0 : i32
    %scan3A_279 = arith.constant 64 : i32
    %scan3A_280 = arith.addi %scan3A_278, %scan3A_279 : i32
    %scan3A_281 = arith.constant 1 : i32
    scf.for %scan3A_415 = %scan3A_278 to %scan3A_280 step %scan3A_281  : i32 {
      %get3A = arith.index_cast %scan3A_415 : i32 to index
      %get3A_416 = arith.constant 0 : index
      %get3A_417 = tpu.vector_load %arg12[%get3A, %get3A_416] {strides = array<i32>} : memref<64x128xf32, #tpu.memory_space<vmem>>, vector<1x16xf32>,
      %get3A_418 = vector.shape_cast %get3A_417 : vector<1x16xf32> to vector<16xf32>
      %get3A_419 = arith.index_cast %scan3A_415 : i32 to index
      %get3A_420 = arith.constant 0 : index
      %get3A_421 = tpu.vector_load %arg18[%get3A_419, %get3A_420] {strides = array<i32>} : memref<64x64xf32, #tpu.memory_space<vmem>>, vector<1x16xf32>,
      %get3A_422 = vector.shape_cast %get3A_421 : vector<1x16xf32> to vector<16xf32>
      %mul3A_423 = arith.mulf %get3A_418, %get3A_422 : vector<16xf32>
      %get3A_424 = arith.index_cast %scan3A_415 : i32 to index
      %get3A_425 = arith.constant 0 : index
      %get3A_426 = tpu.vector_load %arg13[%get3A_424, %get3A_425] {strides = array<i32>} : memref<64x128xf32, #tpu.memory_space<vmem>>, vector<1x16xf32>,
      %get3A_427 = vector.shape_cast %get3A_426 : vector<1x16xf32> to vector<16xf32>
      %get3A_428 = arith.index_cast %scan3A_415 : i32 to index
      %get3A_429 = arith.constant 0 : index
      %get3A_430 = tpu.vector_load %arg19[%get3A_428, %get3A_429] {strides = array<i32>} : memref<64x64xf32, #tpu.memory_space<vmem>>, vector<1x16xf32>,
      %get3A_431 = vector.shape_cast %get3A_430 : vector<1x16xf32> to vector<16xf32>
      %mul3A_432 = arith.mulf %get3A_427, %get3A_431 : vector<16xf32>
      %add3A_433 = arith.addf %mul3A_423, %mul3A_432 : vector<16xf32>
      %get3A_434 = arith.index_cast %scan3A_415 : i32 to index
      %get3A_435 = arith.constant 0 : index
      %get3A_436 = tpu.vector_load %arg14[%get3A_434, %get3A_435] {strides = array<i32>} : memref<64x128xf32, #tpu.memory_space<vmem>>, vector<1x16xf32>,
      %get3A_437 = vector.shape_cast %get3A_436 : vector<1x16xf32> to vector<16xf32>
      %get3A_438 = arith.index_cast %scan3A_415 : i32 to index
      %get3A_439 = arith.constant 0 : index
      %get3A_440 = tpu.vector_load %arg20[%get3A_438, %get3A_439] {strides = array<i32>} : memref<64x64xf32, #tpu.memory_space<vmem>>, vector<1x16xf32>,
      %get3A_441 = vector.shape_cast %get3A_440 : vector<1x16xf32> to vector<16xf32>
      %mul3A_442 = arith.mulf %get3A_437, %get3A_441 : vector<16xf32>
      %add3A_443 = arith.addf %add3A_433, %mul3A_442 : vector<16xf32>
      %swap3A = arith.index_cast %scan3A_415 : i32 to index
      %swap3A_444 = arith.constant 0 : index
      %swap3A_445 = tpu.vector_load %arg21[%swap3A, %swap3A_444] {strides = array<i32>} : memref<64x64xf32, #tpu.memory_space<vmem>>, vector<1x16xf32>,
      %swap3A_446 = vector.shape_cast %swap3A_445 : vector<1x16xf32> to vector<16xf32>
      %swap3A_447 = vector.shape_cast %add3A_443 : vector<16xf32> to vector<1x16xf32>
      tpu.vector_store %arg21[%swap3A, %swap3A_444], %swap3A_447 {strides = array<i32>} : memref<64x64xf32, #tpu.memory_space<vmem>>, vector<1x16xf32>,
      %get3A_448 = arith.index_cast %scan3A_415 : i32 to index
      %get3A_449 = arith.constant 16 : index
      %get3A_450 = tpu.vector_load %arg12[%get3A_448, %get3A_449] {strides = array<i32>} : memref<64x128xf32, #tpu.memory_space<vmem>>, vector<1x16xf32>,
      %get3A_451 = vector.shape_cast %get3A_450 : vector<1x16xf32> to vector<16xf32>
      %get3A_452 = arith.index_cast %scan3A_415 : i32 to index
      %get3A_453 = arith.constant 16 : index
      %get3A_454 = tpu.vector_load %arg18[%get3A_452, %get3A_453] {strides = array<i32>} : memref<64x64xf32, #tpu.memory_space<vmem>>, vector<1x16xf32>,
      %get3A_455 = vector.shape_cast %get3A_454 : vector<1x16xf32> to vector<16xf32>
      %mul3A_456 = arith.mulf %get3A_451, %get3A_455 : vector<16xf32>
      %get3A_457 = arith.index_cast %scan3A_415 : i32 to index
      %get3A_458 = arith.constant 16 : index
      %get3A_459 = tpu.vector_load %arg13[%get3A_457, %get3A_458] {strides = array<i32>} : memref<64x128xf32, #tpu.memory_space<vmem>>, vector<1x16xf32>,
      %get3A_460 = vector.shape_cast %get3A_459 : vector<1x16xf32> to vector<16xf32>
      %get3A_461 = arith.index_cast %scan3A_415 : i32 to index
      %get3A_462 = arith.constant 16 : index
      %get3A_463 = tpu.vector_load %arg19[%get3A_461, %get3A_462] {strides = array<i32>} : memref<64x64xf32, #tpu.memory_space<vmem>>, vector<1x16xf32>,
      %get3A_464 = vector.shape_cast %get3A_463 : vector<1x16xf32> to vector<16xf32>
      %mul3A_465 = arith.mulf %get3A_460, %get3A_464 : vector<16xf32>
      %add3A_466 = arith.addf %mul3A_456, %mul3A_465 : vector<16xf32>
      %get3A_467 = arith.index_cast %scan3A_415 : i32 to index
      %get3A_468 = arith.constant 16 : index
      %get3A_469 = tpu.vector_load %arg14[%get3A_467, %get3A_468] {strides = array<i32>} : memref<64x128xf32, #tpu.memory_space<vmem>>, vector<1x16xf32>,
      %get3A_470 = vector.shape_cast %get3A_469 : vector<1x16xf32> to vector<16xf32>
      %get3A_471 = arith.index_cast %scan3A_415 : i32 to index
      %get3A_472 = arith.constant 16 : index
      %get3A_473 = tpu.vector_load %arg20[%get3A_471, %get3A_472] {strides = array<i32>} : memref<64x64xf32, #tpu.memory_space<vmem>>, vector<1x16xf32>,
      %get3A_474 = vector.shape_cast %get3A_473 : vector<1x16xf32> to vector<16xf32>
      %mul3A_475 = arith.mulf %get3A_470, %get3A_474 : vector<16xf32>
      %add3A_476 = arith.addf %add3A_466, %mul3A_475 : vector<16xf32>
      %swap3A_477 = arith.index_cast %scan3A_415 : i32 to index
      %swap3A_478 = arith.constant 16 : index
      %swap3A_479 = tpu.vector_load %arg21[%swap3A_477, %swap3A_478] {strides = array<i32>} : memref<64x64xf32, #tpu.memory_space<vmem>>, vector<1x16xf32>,
      %swap3A_480 = vector.shape_cast %swap3A_479 : vector<1x16xf32> to vector<16xf32>
      %swap3A_481 = vector.shape_cast %add3A_476 : vector<16xf32> to vector<1x16xf32>
      tpu.vector_store %arg21[%swap3A_477, %swap3A_478], %swap3A_481 {strides = array<i32>} : memref<64x64xf32, #tpu.memory_space<vmem>>, vector<1x16xf32>,
      %get3A_482 = arith.index_cast %scan3A_415 : i32 to index
      %get3A_483 = arith.constant 32 : index
      %get3A_484 = tpu.vector_load %arg12[%get3A_482, %get3A_483] {strides = array<i32>} : memref<64x128xf32, #tpu.memory_space<vmem>>, vector<1x16xf32>,
      %get3A_485 = vector.shape_cast %get3A_484 : vector<1x16xf32> to vector<16xf32>
      %get3A_486 = arith.index_cast %scan3A_415 : i32 to index
      %get3A_487 = arith.constant 32 : index
      %get3A_488 = tpu.vector_load %arg18[%get3A_486, %get3A_487] {strides = array<i32>} : memref<64x64xf32, #tpu.memory_space<vmem>>, vector<1x16xf32>,
      %get3A_489 = vector.shape_cast %get3A_488 : vector<1x16xf32> to vector<16xf32>
      %mul3A_490 = arith.mulf %get3A_485, %get3A_489 : vector<16xf32>
      %get3A_491 = arith.index_cast %scan3A_415 : i32 to index
      %get3A_492 = arith.constant 32 : index
      %get3A_493 = tpu.vector_load %arg13[%get3A_491, %get3A_492] {strides = array<i32>} : memref<64x128xf32, #tpu.memory_space<vmem>>, vector<1x16xf32>,
      %get3A_494 = vector.shape_cast %get3A_493 : vector<1x16xf32> to vector<16xf32>
      %get3A_495 = arith.index_cast %scan3A_415 : i32 to index
      %get3A_496 = arith.constant 32 : index
      %get3A_497 = tpu.vector_load %arg19[%get3A_495, %get3A_496] {strides = array<i32>} : memref<64x64xf32, #tpu.memory_space<vmem>>, vector<1x16xf32>,
      %get3A_498 = vector.shape_cast %get3A_497 : vector<1x16xf32> to vector<16xf32>
      %mul3A_499 = arith.mulf %get3A_494, %get3A_498 : vector<16xf32>
      %add3A_500 = arith.addf %mul3A_490, %mul3A_499 : vector<16xf32>
      %get3A_501 = arith.index_cast %scan3A_415 : i32 to index
      %get3A_502 = arith.constant 32 : index
      %get3A_503 = tpu.vector_load %arg14[%get3A_501, %get3A_502] {strides = array<i32>} : memref<64x128xf32, #tpu.memory_space<vmem>>, vector<1x16xf32>,
      %get3A_504 = vector.shape_cast %get3A_503 : vector<1x16xf32> to vector<16xf32>
      %get3A_505 = arith.index_cast %scan3A_415 : i32 to index
      %get3A_506 = arith.constant 32 : index
      %get3A_507 = tpu.vector_load %arg20[%get3A_505, %get3A_506] {strides = array<i32>} : memref<64x64xf32, #tpu.memory_space<vmem>>, vector<1x16xf32>,
      %get3A_508 = vector.shape_cast %get3A_507 : vector<1x16xf32> to vector<16xf32>
      %mul3A_509 = arith.mulf %get3A_504, %get3A_508 : vector<16xf32>
      %add3A_510 = arith.addf %add3A_500, %mul3A_509 : vector<16xf32>
      %swap3A_511 = arith.index_cast %scan3A_415 : i32 to index
      %swap3A_512 = arith.constant 32 : index
      %swap3A_513 = tpu.vector_load %arg21[%swap3A_511, %swap3A_512] {strides = array<i32>} : memref<64x64xf32, #tpu.memory_space<vmem>>, vector<1x16xf32>,
      %swap3A_514 = vector.shape_cast %swap3A_513 : vector<1x16xf32> to vector<16xf32>
      %swap3A_515 = vector.shape_cast %add3A_510 : vector<16xf32> to vector<1x16xf32>
      tpu.vector_store %arg21[%swap3A_511, %swap3A_512], %swap3A_515 {strides = array<i32>} : memref<64x64xf32, #tpu.memory_space<vmem>>, vector<1x16xf32>,
      %get3A_516 = arith.index_cast %scan3A_415 : i32 to index
      %get3A_517 = arith.constant 48 : index
      %get3A_518 = tpu.vector_load %arg12[%get3A_516, %get3A_517] {strides = array<i32>} : memref<64x128xf32, #tpu.memory_space<vmem>>, vector<1x16xf32>,
      %get3A_519 = vector.shape_cast %get3A_518 : vector<1x16xf32> to vector<16xf32>
      %get3A_520 = arith.index_cast %scan3A_415 : i32 to index
      %get3A_521 = arith.constant 48 : index
      %get3A_522 = tpu.vector_load %arg18[%get3A_520, %get3A_521] {strides = array<i32>} : memref<64x64xf32, #tpu.memory_space<vmem>>, vector<1x16xf32>,
      %get3A_523 = vector.shape_cast %get3A_522 : vector<1x16xf32> to vector<16xf32>
      %mul3A_524 = arith.mulf %get3A_519, %get3A_523 : vector<16xf32>
      %get3A_525 = arith.index_cast %scan3A_415 : i32 to index
      %get3A_526 = arith.constant 48 : index
      %get3A_527 = tpu.vector_load %arg13[%get3A_525, %get3A_526] {strides = array<i32>} : memref<64x128xf32, #tpu.memory_space<vmem>>, vector<1x16xf32>,
      %get3A_528 = vector.shape_cast %get3A_527 : vector<1x16xf32> to vector<16xf32>
      %get3A_529 = arith.index_cast %scan3A_415 : i32 to index
      %get3A_530 = arith.constant 48 : index
      %get3A_531 = tpu.vector_load %arg19[%get3A_529, %get3A_530] {strides = array<i32>} : memref<64x64xf32, #tpu.memory_space<vmem>>, vector<1x16xf32>,
      %get3A_532 = vector.shape_cast %get3A_531 : vector<1x16xf32> to vector<16xf32>
      %mul3A_533 = arith.mulf %get3A_528, %get3A_532 : vector<16xf32>
      %add3A_534 = arith.addf %mul3A_524, %mul3A_533 : vector<16xf32>
      %get3A_535 = arith.index_cast %scan3A_415 : i32 to index
      %get3A_536 = arith.constant 48 : index
      %get3A_537 = tpu.vector_load %arg14[%get3A_535, %get3A_536] {strides = array<i32>} : memref<64x128xf32, #tpu.memory_space<vmem>>, vector<1x16xf32>,
      %get3A_538 = vector.shape_cast %get3A_537 : vector<1x16xf32> to vector<16xf32>
      %get3A_539 = arith.index_cast %scan3A_415 : i32 to index
      %get3A_540 = arith.constant 48 : index
      %get3A_541 = tpu.vector_load %arg20[%get3A_539, %get3A_540] {strides = array<i32>} : memref<64x64xf32, #tpu.memory_space<vmem>>, vector<1x16xf32>,
      %get3A_542 = vector.shape_cast %get3A_541 : vector<1x16xf32> to vector<16xf32>
      %mul3A_543 = arith.mulf %get3A_538, %get3A_542 : vector<16xf32>
      %add3A_544 = arith.addf %add3A_534, %mul3A_543 : vector<16xf32>
      %swap3A_545 = arith.index_cast %scan3A_415 : i32 to index
      %swap3A_546 = arith.constant 48 : index
      %swap3A_547 = tpu.vector_load %arg21[%swap3A_545, %swap3A_546] {strides = array<i32>} : memref<64x64xf32, #tpu.memory_space<vmem>>, vector<1x16xf32>,
      %swap3A_548 = vector.shape_cast %swap3A_547 : vector<1x16xf32> to vector<16xf32>
      %swap3A_549 = vector.shape_cast %add3A_544 : vector<16xf32> to vector<1x16xf32>
      tpu.vector_store %arg21[%swap3A_545, %swap3A_546], %swap3A_549 {strides = array<i32>} : memref<64x64xf32, #tpu.memory_space<vmem>>, vector<1x16xf32>,
    }
    %scan3A_282 = arith.constant 64 : i32
    %mul3A_283 = arith.constant 256 : i32
    %mul3A_284 = arith.muli %add3A, %mul3A_283 : i32
    %add3A_285 = arith.constant 64 : i32
    %add3A_286 = arith.addi %mul3A_284, %add3A_285 : i32
    "tpu.region"() ({
      %run_scoped3A = tpu.sem_alloc : memref<!tpu.dma_semaphore, #tpu.memory_space<semaphore_mem>>
      %dma_start3A_415 = arith.constant 0 : i32
      %dma_start3A_416 = tpu.memref_slice %arg5[%add3A_286, %dma_start3A_415] : memref<8192x64xf32, #tpu.memory_space<hbm>> -> memref<64x64xf32, #tpu.memory_space<hbm>>
      %dma_start3A_417 = arith.constant 0 : i32
      %dma_start3A_418 = tpu.memref_slice %arg5[%add3A_286, %dma_start3A_417] : memref<8192x64xf32, #tpu.memory_space<hbm>> -> memref<64x64xf32, #tpu.memory_space<hbm>>
      tpu.enqueue_dma source(%arg21 : memref<64x64xf32, #tpu.memory_space<vmem>>) target(%dma_start3A_418 : memref<64x64xf32, #tpu.memory_space<hbm>>) target_semaphore(%run_scoped3A : memref<!tpu.dma_semaphore, #tpu.memory_space<semaphore_mem>>)
      %dma_wait3A_419 = arith.constant 0 : i32
      %dma_wait3A_420 = tpu.memref_slice %arg5[%add3A_286, %dma_wait3A_419] : memref<8192x64xf32, #tpu.memory_space<hbm>> -> memref<64x64xf32, #tpu.memory_space<hbm>>
      %dma_wait3A_421 = arith.constant 0 : i32
      %dma_wait3A_422 = tpu.memref_slice %arg5[%add3A_286, %dma_wait3A_421] : memref<8192x64xf32, #tpu.memory_space<hbm>> -> memref<64x64xf32, #tpu.memory_space<hbm>>
      tpu.wait_dma2 semaphore(%run_scoped3A : memref<!tpu.dma_semaphore, #tpu.memory_space<semaphore_mem>>) src(%arg21 : memref<64x64xf32, #tpu.memory_space<vmem>>) dst(%dma_wait3A_422 : memref<64x64xf32, #tpu.memory_space<hbm>>)
      tpu.yield
    }) : () -> ()
    %dma_wait3A_287 = arith.constant 128 : i32
    %dma_wait3A_288 = tpu.memref_slice %arg6[%dma_wait3A_287] : memref<256xi32, #tpu.memory_space<vmem>> -> memref<64xi32, #tpu.memory_space<vmem>>
    %dma_wait3A_289 = arith.constant 0 : i32
    %dma_wait3A_290 = arith.constant 0 : i32
    %dma_wait3A_291 = tpu.memref_slice %arg2[%dma_wait3A_289, %dma_wait3A_290] : memref<8192x128xf32, #tpu.memory_space<hbm>> -> memref<8192x128xf32, #tpu.memory_space<hbm>>
    tpu.wait_indirect_dma semaphore(%arg22 : memref<!tpu.dma_semaphore, #tpu.memory_space<semaphore_mem>>) src(%dma_wait3A_291 : memref<8192x128xf32, #tpu.memory_space<hbm>>) dst(%arg9 : memref<64x128xf32, #tpu.memory_space<vmem>>)
    %dma_wait3A_292 = arith.constant 0 : i32
    %dma_wait3A_293 = tpu.memref_slice %arg4[%add3A_236, %dma_wait3A_292] : memref<24576x64xf32, #tpu.memory_space<hbm>> -> memref<64x64xf32, #tpu.memory_space<hbm>>
    %dma_wait3A_294 = arith.constant 0 : i32
    %dma_wait3A_295 = tpu.memref_slice %arg4[%add3A_236, %dma_wait3A_294] : memref<24576x64xf32, #tpu.memory_space<hbm>> -> memref<64x64xf32, #tpu.memory_space<hbm>>
    tpu.wait_dma2 semaphore(%arg23 : memref<!tpu.dma_semaphore, #tpu.memory_space<semaphore_mem>>) src(%dma_wait3A_295 : memref<64x64xf32, #tpu.memory_space<hbm>>) dst(%arg15 : memref<64x64xf32, #tpu.memory_space<vmem>>)
    %dma_wait3A_296 = arith.constant 128 : i32
    %dma_wait3A_297 = tpu.memref_slice %arg7[%dma_wait3A_296] : memref<256xi32, #tpu.memory_space<vmem>> -> memref<64xi32, #tpu.memory_space<vmem>>
    %dma_wait3A_298 = arith.constant 0 : i32
    %dma_wait3A_299 = arith.constant 0 : i32
    %dma_wait3A_300 = tpu.memref_slice %arg2[%dma_wait3A_298, %dma_wait3A_299] : memref<8192x128xf32, #tpu.memory_space<hbm>> -> memref<8192x128xf32, #tpu.memory_space<hbm>>
    tpu.wait_indirect_dma semaphore(%arg22 : memref<!tpu.dma_semaphore, #tpu.memory_space<semaphore_mem>>) src(%dma_wait3A_300 : memref<8192x128xf32, #tpu.memory_space<hbm>>) dst(%arg10 : memref<64x128xf32, #tpu.memory_space<vmem>>)
    %dma_wait3A_301 = arith.constant 0 : i32
    %dma_wait3A_302 = tpu.memref_slice %arg4[%add3A_254, %dma_wait3A_301] : memref<24576x64xf32, #tpu.memory_space<hbm>> -> memref<64x64xf32, #tpu.memory_space<hbm>>
    %dma_wait3A_303 = arith.constant 0 : i32
    %dma_wait3A_304 = tpu.memref_slice %arg4[%add3A_254, %dma_wait3A_303] : memref<24576x64xf32, #tpu.memory_space<hbm>> -> memref<64x64xf32, #tpu.memory_space<hbm>>
    tpu.wait_dma2 semaphore(%arg23 : memref<!tpu.dma_semaphore, #tpu.memory_space<semaphore_mem>>) src(%dma_wait3A_304 : memref<64x64xf32, #tpu.memory_space<hbm>>) dst(%arg16 : memref<64x64xf32, #tpu.memory_space<vmem>>)
    %dma_wait3A_305 = arith.constant 128 : i32
    %dma_wait3A_306 = tpu.memref_slice %arg8[%dma_wait3A_305] : memref<256xi32, #tpu.memory_space<vmem>> -> memref<64xi32, #tpu.memory_space<vmem>>
    %dma_wait3A_307 = arith.constant 0 : i32
    %dma_wait3A_308 = arith.constant 0 : i32
    %dma_wait3A_309 = tpu.memref_slice %arg2[%dma_wait3A_307, %dma_wait3A_308] : memref<8192x128xf32, #tpu.memory_space<hbm>> -> memref<8192x128xf32, #tpu.memory_space<hbm>>
    tpu.wait_indirect_dma semaphore(%arg22 : memref<!tpu.dma_semaphore, #tpu.memory_space<semaphore_mem>>) src(%dma_wait3A_309 : memref<8192x128xf32, #tpu.memory_space<hbm>>) dst(%arg11 : memref<64x128xf32, #tpu.memory_space<vmem>>)
    %dma_wait3A_310 = arith.constant 0 : i32
    %dma_wait3A_311 = tpu.memref_slice %arg4[%add3A_272, %dma_wait3A_310] : memref<24576x64xf32, #tpu.memory_space<hbm>> -> memref<64x64xf32, #tpu.memory_space<hbm>>
    %dma_wait3A_312 = arith.constant 0 : i32
    %dma_wait3A_313 = tpu.memref_slice %arg4[%add3A_272, %dma_wait3A_312] : memref<24576x64xf32, #tpu.memory_space<hbm>> -> memref<64x64xf32, #tpu.memory_space<hbm>>
    tpu.wait_dma2 semaphore(%arg23 : memref<!tpu.dma_semaphore, #tpu.memory_space<semaphore_mem>>) src(%dma_wait3A_313 : memref<64x64xf32, #tpu.memory_space<hbm>>) dst(%arg17 : memref<64x64xf32, #tpu.memory_space<vmem>>)
    %dma_start3A_314 = arith.constant 192 : i32
    %dma_start3A_315 = tpu.memref_slice %arg6[%dma_start3A_314] : memref<256xi32, #tpu.memory_space<vmem>> -> memref<64xi32, #tpu.memory_space<vmem>>
    %dma_start3A_316 = arith.constant 0 : i32
    %dma_start3A_317 = arith.constant 0 : i32
    %dma_start3A_318 = tpu.memref_slice %arg2[%dma_start3A_316, %dma_start3A_317] : memref<8192x128xf32, #tpu.memory_space<hbm>> -> memref<8192x128xf32, #tpu.memory_space<hbm>>
    tpu.enqueue_indirect_dma source(%dma_start3A_318 : memref<8192x128xf32, #tpu.memory_space<hbm>>) target(%arg12 : memref<64x128xf32, #tpu.memory_space<vmem>>) offsets(%dma_start3A_315 : memref<64xi32, #tpu.memory_space<vmem>>) semaphore(%arg22 : memref<!tpu.dma_semaphore, #tpu.memory_space<semaphore_mem>>)
    %mul3A_319 = arith.constant 3 : i32
    %mul3A_320 = arith.muli %select_n3A, %mul3A_319 : i32
    %add3A_321 = arith.constant 0 : i32
    %add3A_322 = arith.addi %mul3A_320, %add3A_321 : i32
    %mul3A_323 = arith.constant 4096 : i32
    %mul3A_324 = arith.muli %add3A_322, %mul3A_323 : i32
    %add3A_325 = arith.addi %mul3A_324, %mul3A_32 : i32
    %add3A_326 = arith.constant 192 : i32
    %add3A_327 = arith.addi %add3A_325, %add3A_326 : i32
    %dma_start3A_328 = arith.constant 0 : i32
    %dma_start3A_329 = tpu.memref_slice %arg4[%add3A_327, %dma_start3A_328] : memref<24576x64xf32, #tpu.memory_space<hbm>> -> memref<64x64xf32, #tpu.memory_space<hbm>>
    %dma_start3A_330 = arith.constant 0 : i32
    %dma_start3A_331 = tpu.memref_slice %arg4[%add3A_327, %dma_start3A_330] : memref<24576x64xf32, #tpu.memory_space<hbm>> -> memref<64x64xf32, #tpu.memory_space<hbm>>
    tpu.enqueue_dma source(%dma_start3A_331 : memref<64x64xf32, #tpu.memory_space<hbm>>) target(%arg18 : memref<64x64xf32, #tpu.memory_space<vmem>>) target_semaphore(%arg23 : memref<!tpu.dma_semaphore, #tpu.memory_space<semaphore_mem>>)
    %dma_start3A_332 = arith.constant 192 : i32
    %dma_start3A_333 = tpu.memref_slice %arg7[%dma_start3A_332] : memref<256xi32, #tpu.memory_space<vmem>> -> memref<64xi32, #tpu.memory_space<vmem>>
    %dma_start3A_334 = arith.constant 0 : i32
    %dma_start3A_335 = arith.constant 0 : i32
    %dma_start3A_336 = tpu.memref_slice %arg2[%dma_start3A_334, %dma_start3A_335] : memref<8192x128xf32, #tpu.memory_space<hbm>> -> memref<8192x128xf32, #tpu.memory_space<hbm>>
    tpu.enqueue_indirect_dma source(%dma_start3A_336 : memref<8192x128xf32, #tpu.memory_space<hbm>>) target(%arg13 : memref<64x128xf32, #tpu.memory_space<vmem>>) offsets(%dma_start3A_333 : memref<64xi32, #tpu.memory_space<vmem>>) semaphore(%arg22 : memref<!tpu.dma_semaphore, #tpu.memory_space<semaphore_mem>>)
    %mul3A_337 = arith.constant 3 : i32
    %mul3A_338 = arith.muli %select_n3A, %mul3A_337 : i32
    %add3A_339 = arith.constant 1 : i32
    %add3A_340 = arith.addi %mul3A_338, %add3A_339 : i32
    %mul3A_341 = arith.constant 4096 : i32
    %mul3A_342 = arith.muli %add3A_340, %mul3A_341 : i32
    %add3A_343 = arith.addi %mul3A_342, %mul3A_32 : i32
    %add3A_344 = arith.constant 192 : i32
    %add3A_345 = arith.addi %add3A_343, %add3A_344 : i32
    %dma_start3A_346 = arith.constant 0 : i32
    %dma_start3A_347 = tpu.memref_slice %arg4[%add3A_345, %dma_start3A_346] : memref<24576x64xf32, #tpu.memory_space<hbm>> -> memref<64x64xf32, #tpu.memory_space<hbm>>
    %dma_start3A_348 = arith.constant 0 : i32
    %dma_start3A_349 = tpu.memref_slice %arg4[%add3A_345, %dma_start3A_348] : memref<24576x64xf32, #tpu.memory_space<hbm>> -> memref<64x64xf32, #tpu.memory_space<hbm>>
    tpu.enqueue_dma source(%dma_start3A_349 : memref<64x64xf32, #tpu.memory_space<hbm>>) target(%arg19 : memref<64x64xf32, #tpu.memory_space<vmem>>) target_semaphore(%arg23 : memref<!tpu.dma_semaphore, #tpu.memory_space<semaphore_mem>>)
    %dma_start3A_350 = arith.constant 192 : i32
    %dma_start3A_351 = tpu.memref_slice %arg8[%dma_start3A_350] : memref<256xi32, #tpu.memory_space<vmem>> -> memref<64xi32, #tpu.memory_space<vmem>>
    %dma_start3A_352 = arith.constant 0 : i32
    %dma_start3A_353 = arith.constant 0 : i32
    %dma_start3A_354 = tpu.memref_slice %arg2[%dma_start3A_352, %dma_start3A_353] : memref<8192x128xf32, #tpu.memory_space<hbm>> -> memref<8192x128xf32, #tpu.memory_space<hbm>>
    tpu.enqueue_indirect_dma source(%dma_start3A_354 : memref<8192x128xf32, #tpu.memory_space<hbm>>) target(%arg14 : memref<64x128xf32, #tpu.memory_space<vmem>>) offsets(%dma_start3A_351 : memref<64xi32, #tpu.memory_space<vmem>>) semaphore(%arg22 : memref<!tpu.dma_semaphore, #tpu.memory_space<semaphore_mem>>)
    %mul3A_355 = arith.constant 3 : i32
    %mul3A_356 = arith.muli %select_n3A, %mul3A_355 : i32
    %add3A_357 = arith.constant 2 : i32
    %add3A_358 = arith.addi %mul3A_356, %add3A_357 : i32
    %mul3A_359 = arith.constant 4096 : i32
    %mul3A_360 = arith.muli %add3A_358, %mul3A_359 : i32
    %add3A_361 = arith.addi %mul3A_360, %mul3A_32 : i32
    %add3A_362 = arith.constant 192 : i32
    %add3A_363 = arith.addi %add3A_361, %add3A_362 : i32
    %dma_start3A_364 = arith.constant 0 : i32
    %dma_start3A_365 = tpu.memref_slice %arg4[%add3A_363, %dma_start3A_364] : memref<24576x64xf32, #tpu.memory_space<hbm>> -> memref<64x64xf32, #tpu.memory_space<hbm>>
    %dma_start3A_366 = arith.constant 0 : i32
    %dma_start3A_367 = tpu.memref_slice %arg4[%add3A_363, %dma_start3A_366] : memref<24576x64xf32, #tpu.memory_space<hbm>> -> memref<64x64xf32, #tpu.memory_space<hbm>>
    tpu.enqueue_dma source(%dma_start3A_367 : memref<64x64xf32, #tpu.memory_space<hbm>>) target(%arg20 : memref<64x64xf32, #tpu.memory_space<vmem>>) target_semaphore(%arg23 : memref<!tpu.dma_semaphore, #tpu.memory_space<semaphore_mem>>)
    %scan3A_368 = arith.constant 0 : i32
    %scan3A_369 = arith.constant 0 : i32
    %scan3A_370 = arith.constant 64 : i32
    %scan3A_371 = arith.addi %scan3A_369, %scan3A_370 : i32
    %scan3A_372 = arith.constant 1 : i32
    scf.for %scan3A_415 = %scan3A_369 to %scan3A_371 step %scan3A_372  : i32 {
      %get3A = arith.index_cast %scan3A_415 : i32 to index
      %get3A_416 = arith.constant 0 : index
      %get3A_417 = tpu.vector_load %arg9[%get3A, %get3A_416] {strides = array<i32>} : memref<64x128xf32, #tpu.memory_space<vmem>>, vector<1x16xf32>,
      %get3A_418 = vector.shape_cast %get3A_417 : vector<1x16xf32> to vector<16xf32>
      %get3A_419 = arith.index_cast %scan3A_415 : i32 to index
      %get3A_420 = arith.constant 0 : index
      %get3A_421 = tpu.vector_load %arg15[%get3A_419, %get3A_420] {strides = array<i32>} : memref<64x64xf32, #tpu.memory_space<vmem>>, vector<1x16xf32>,
      %get3A_422 = vector.shape_cast %get3A_421 : vector<1x16xf32> to vector<16xf32>
      %mul3A_423 = arith.mulf %get3A_418, %get3A_422 : vector<16xf32>
      %get3A_424 = arith.index_cast %scan3A_415 : i32 to index
      %get3A_425 = arith.constant 0 : index
      %get3A_426 = tpu.vector_load %arg10[%get3A_424, %get3A_425] {strides = array<i32>} : memref<64x128xf32, #tpu.memory_space<vmem>>, vector<1x16xf32>,
      %get3A_427 = vector.shape_cast %get3A_426 : vector<1x16xf32> to vector<16xf32>
      %get3A_428 = arith.index_cast %scan3A_415 : i32 to index
      %get3A_429 = arith.constant 0 : index
      %get3A_430 = tpu.vector_load %arg16[%get3A_428, %get3A_429] {strides = array<i32>} : memref<64x64xf32, #tpu.memory_space<vmem>>, vector<1x16xf32>,
      %get3A_431 = vector.shape_cast %get3A_430 : vector<1x16xf32> to vector<16xf32>
      %mul3A_432 = arith.mulf %get3A_427, %get3A_431 : vector<16xf32>
      %add3A_433 = arith.addf %mul3A_423, %mul3A_432 : vector<16xf32>
      %get3A_434 = arith.index_cast %scan3A_415 : i32 to index
      %get3A_435 = arith.constant 0 : index
      %get3A_436 = tpu.vector_load %arg11[%get3A_434, %get3A_435] {strides = array<i32>} : memref<64x128xf32, #tpu.memory_space<vmem>>, vector<1x16xf32>,
      %get3A_437 = vector.shape_cast %get3A_436 : vector<1x16xf32> to vector<16xf32>
      %get3A_438 = arith.index_cast %scan3A_415 : i32 to index
      %get3A_439 = arith.constant 0 : index
      %get3A_440 = tpu.vector_load %arg17[%get3A_438, %get3A_439] {strides = array<i32>} : memref<64x64xf32, #tpu.memory_space<vmem>>, vector<1x16xf32>,
      %get3A_441 = vector.shape_cast %get3A_440 : vector<1x16xf32> to vector<16xf32>
      %mul3A_442 = arith.mulf %get3A_437, %get3A_441 : vector<16xf32>
      %add3A_443 = arith.addf %add3A_433, %mul3A_442 : vector<16xf32>
      %swap3A = arith.index_cast %scan3A_415 : i32 to index
      %swap3A_444 = arith.constant 0 : index
      %swap3A_445 = tpu.vector_load %arg21[%swap3A, %swap3A_444] {strides = array<i32>} : memref<64x64xf32, #tpu.memory_space<vmem>>, vector<1x16xf32>,
      %swap3A_446 = vector.shape_cast %swap3A_445 : vector<1x16xf32> to vector<16xf32>
      %swap3A_447 = vector.shape_cast %add3A_443 : vector<16xf32> to vector<1x16xf32>
      tpu.vector_store %arg21[%swap3A, %swap3A_444], %swap3A_447 {strides = array<i32>} : memref<64x64xf32, #tpu.memory_space<vmem>>, vector<1x16xf32>,
      %get3A_448 = arith.index_cast %scan3A_415 : i32 to index
      %get3A_449 = arith.constant 16 : index
      %get3A_450 = tpu.vector_load %arg9[%get3A_448, %get3A_449] {strides = array<i32>} : memref<64x128xf32, #tpu.memory_space<vmem>>, vector<1x16xf32>,
      %get3A_451 = vector.shape_cast %get3A_450 : vector<1x16xf32> to vector<16xf32>
      %get3A_452 = arith.index_cast %scan3A_415 : i32 to index
      %get3A_453 = arith.constant 16 : index
      %get3A_454 = tpu.vector_load %arg15[%get3A_452, %get3A_453] {strides = array<i32>} : memref<64x64xf32, #tpu.memory_space<vmem>>, vector<1x16xf32>,
      %get3A_455 = vector.shape_cast %get3A_454 : vector<1x16xf32> to vector<16xf32>
      %mul3A_456 = arith.mulf %get3A_451, %get3A_455 : vector<16xf32>
      %get3A_457 = arith.index_cast %scan3A_415 : i32 to index
      %get3A_458 = arith.constant 16 : index
      %get3A_459 = tpu.vector_load %arg10[%get3A_457, %get3A_458] {strides = array<i32>} : memref<64x128xf32, #tpu.memory_space<vmem>>, vector<1x16xf32>,
      %get3A_460 = vector.shape_cast %get3A_459 : vector<1x16xf32> to vector<16xf32>
      %get3A_461 = arith.index_cast %scan3A_415 : i32 to index
      %get3A_462 = arith.constant 16 : index
      %get3A_463 = tpu.vector_load %arg16[%get3A_461, %get3A_462] {strides = array<i32>} : memref<64x64xf32, #tpu.memory_space<vmem>>, vector<1x16xf32>,
      %get3A_464 = vector.shape_cast %get3A_463 : vector<1x16xf32> to vector<16xf32>
      %mul3A_465 = arith.mulf %get3A_460, %get3A_464 : vector<16xf32>
      %add3A_466 = arith.addf %mul3A_456, %mul3A_465 : vector<16xf32>
      %get3A_467 = arith.index_cast %scan3A_415 : i32 to index
      %get3A_468 = arith.constant 16 : index
      %get3A_469 = tpu.vector_load %arg11[%get3A_467, %get3A_468] {strides = array<i32>} : memref<64x128xf32, #tpu.memory_space<vmem>>, vector<1x16xf32>,
      %get3A_470 = vector.shape_cast %get3A_469 : vector<1x16xf32> to vector<16xf32>
      %get3A_471 = arith.index_cast %scan3A_415 : i32 to index
      %get3A_472 = arith.constant 16 : index
      %get3A_473 = tpu.vector_load %arg17[%get3A_471, %get3A_472] {strides = array<i32>} : memref<64x64xf32, #tpu.memory_space<vmem>>, vector<1x16xf32>,
      %get3A_474 = vector.shape_cast %get3A_473 : vector<1x16xf32> to vector<16xf32>
      %mul3A_475 = arith.mulf %get3A_470, %get3A_474 : vector<16xf32>
      %add3A_476 = arith.addf %add3A_466, %mul3A_475 : vector<16xf32>
      %swap3A_477 = arith.index_cast %scan3A_415 : i32 to index
      %swap3A_478 = arith.constant 16 : index
      %swap3A_479 = tpu.vector_load %arg21[%swap3A_477, %swap3A_478] {strides = array<i32>} : memref<64x64xf32, #tpu.memory_space<vmem>>, vector<1x16xf32>,
      %swap3A_480 = vector.shape_cast %swap3A_479 : vector<1x16xf32> to vector<16xf32>
      %swap3A_481 = vector.shape_cast %add3A_476 : vector<16xf32> to vector<1x16xf32>
      tpu.vector_store %arg21[%swap3A_477, %swap3A_478], %swap3A_481 {strides = array<i32>} : memref<64x64xf32, #tpu.memory_space<vmem>>, vector<1x16xf32>,
      %get3A_482 = arith.index_cast %scan3A_415 : i32 to index
      %get3A_483 = arith.constant 32 : index
      %get3A_484 = tpu.vector_load %arg9[%get3A_482, %get3A_483] {strides = array<i32>} : memref<64x128xf32, #tpu.memory_space<vmem>>, vector<1x16xf32>,
      %get3A_485 = vector.shape_cast %get3A_484 : vector<1x16xf32> to vector<16xf32>
      %get3A_486 = arith.index_cast %scan3A_415 : i32 to index
      %get3A_487 = arith.constant 32 : index
      %get3A_488 = tpu.vector_load %arg15[%get3A_486, %get3A_487] {strides = array<i32>} : memref<64x64xf32, #tpu.memory_space<vmem>>, vector<1x16xf32>,
      %get3A_489 = vector.shape_cast %get3A_488 : vector<1x16xf32> to vector<16xf32>
      %mul3A_490 = arith.mulf %get3A_485, %get3A_489 : vector<16xf32>
      %get3A_491 = arith.index_cast %scan3A_415 : i32 to index
      %get3A_492 = arith.constant 32 : index
      %get3A_493 = tpu.vector_load %arg10[%get3A_491, %get3A_492] {strides = array<i32>} : memref<64x128xf32, #tpu.memory_space<vmem>>, vector<1x16xf32>,
      %get3A_494 = vector.shape_cast %get3A_493 : vector<1x16xf32> to vector<16xf32>
      %get3A_495 = arith.index_cast %scan3A_415 : i32 to index
      %get3A_496 = arith.constant 32 : index
      %get3A_497 = tpu.vector_load %arg16[%get3A_495, %get3A_496] {strides = array<i32>} : memref<64x64xf32, #tpu.memory_space<vmem>>, vector<1x16xf32>,
      %get3A_498 = vector.shape_cast %get3A_497 : vector<1x16xf32> to vector<16xf32>
      %mul3A_499 = arith.mulf %get3A_494, %get3A_498 : vector<16xf32>
      %add3A_500 = arith.addf %mul3A_490, %mul3A_499 : vector<16xf32>
      %get3A_501 = arith.index_cast %scan3A_415 : i32 to index
      %get3A_502 = arith.constant 32 : index
      %get3A_503 = tpu.vector_load %arg11[%get3A_501, %get3A_502] {strides = array<i32>} : memref<64x128xf32, #tpu.memory_space<vmem>>, vector<1x16xf32>,
      %get3A_504 = vector.shape_cast %get3A_503 : vector<1x16xf32> to vector<16xf32>
      %get3A_505 = arith.index_cast %scan3A_415 : i32 to index
      %get3A_506 = arith.constant 32 : index
      %get3A_507 = tpu.vector_load %arg17[%get3A_505, %get3A_506] {strides = array<i32>} : memref<64x64xf32, #tpu.memory_space<vmem>>, vector<1x16xf32>,
      %get3A_508 = vector.shape_cast %get3A_507 : vector<1x16xf32> to vector<16xf32>
      %mul3A_509 = arith.mulf %get3A_504, %get3A_508 : vector<16xf32>
      %add3A_510 = arith.addf %add3A_500, %mul3A_509 : vector<16xf32>
      %swap3A_511 = arith.index_cast %scan3A_415 : i32 to index
      %swap3A_512 = arith.constant 32 : index
      %swap3A_513 = tpu.vector_load %arg21[%swap3A_511, %swap3A_512] {strides = array<i32>} : memref<64x64xf32, #tpu.memory_space<vmem>>, vector<1x16xf32>,
      %swap3A_514 = vector.shape_cast %swap3A_513 : vector<1x16xf32> to vector<16xf32>
      %swap3A_515 = vector.shape_cast %add3A_510 : vector<16xf32> to vector<1x16xf32>
      tpu.vector_store %arg21[%swap3A_511, %swap3A_512], %swap3A_515 {strides = array<i32>} : memref<64x64xf32, #tpu.memory_space<vmem>>, vector<1x16xf32>,
      %get3A_516 = arith.index_cast %scan3A_415 : i32 to index
      %get3A_517 = arith.constant 48 : index
      %get3A_518 = tpu.vector_load %arg9[%get3A_516, %get3A_517] {strides = array<i32>} : memref<64x128xf32, #tpu.memory_space<vmem>>, vector<1x16xf32>,
      %get3A_519 = vector.shape_cast %get3A_518 : vector<1x16xf32> to vector<16xf32>
      %get3A_520 = arith.index_cast %scan3A_415 : i32 to index
      %get3A_521 = arith.constant 48 : index
      %get3A_522 = tpu.vector_load %arg15[%get3A_520, %get3A_521] {strides = array<i32>} : memref<64x64xf32, #tpu.memory_space<vmem>>, vector<1x16xf32>,
      %get3A_523 = vector.shape_cast %get3A_522 : vector<1x16xf32> to vector<16xf32>
      %mul3A_524 = arith.mulf %get3A_519, %get3A_523 : vector<16xf32>
      %get3A_525 = arith.index_cast %scan3A_415 : i32 to index
      %get3A_526 = arith.constant 48 : index
      %get3A_527 = tpu.vector_load %arg10[%get3A_525, %get3A_526] {strides = array<i32>} : memref<64x128xf32, #tpu.memory_space<vmem>>, vector<1x16xf32>,
      %get3A_528 = vector.shape_cast %get3A_527 : vector<1x16xf32> to vector<16xf32>
      %get3A_529 = arith.index_cast %scan3A_415 : i32 to index
      %get3A_530 = arith.constant 48 : index
      %get3A_531 = tpu.vector_load %arg16[%get3A_529, %get3A_530] {strides = array<i32>} : memref<64x64xf32, #tpu.memory_space<vmem>>, vector<1x16xf32>,
      %get3A_532 = vector.shape_cast %get3A_531 : vector<1x16xf32> to vector<16xf32>
      %mul3A_533 = arith.mulf %get3A_528, %get3A_532 : vector<16xf32>
      %add3A_534 = arith.addf %mul3A_524, %mul3A_533 : vector<16xf32>
      %get3A_535 = arith.index_cast %scan3A_415 : i32 to index
      %get3A_536 = arith.constant 48 : index
      %get3A_537 = tpu.vector_load %arg11[%get3A_535, %get3A_536] {strides = array<i32>} : memref<64x128xf32, #tpu.memory_space<vmem>>, vector<1x16xf32>,
      %get3A_538 = vector.shape_cast %get3A_537 : vector<1x16xf32> to vector<16xf32>
      %get3A_539 = arith.index_cast %scan3A_415 : i32 to index
      %get3A_540 = arith.constant 48 : index
      %get3A_541 = tpu.vector_load %arg17[%get3A_539, %get3A_540] {strides = array<i32>} : memref<64x64xf32, #tpu.memory_space<vmem>>, vector<1x16xf32>,
      %get3A_542 = vector.shape_cast %get3A_541 : vector<1x16xf32> to vector<16xf32>
      %mul3A_543 = arith.mulf %get3A_538, %get3A_542 : vector<16xf32>
      %add3A_544 = arith.addf %add3A_534, %mul3A_543 : vector<16xf32>
      %swap3A_545 = arith.index_cast %scan3A_415 : i32 to index
      %swap3A_546 = arith.constant 48 : index
      %swap3A_547 = tpu.vector_load %arg21[%swap3A_545, %swap3A_546] {strides = array<i32>} : memref<64x64xf32, #tpu.memory_space<vmem>>, vector<1x16xf32>,
      %swap3A_548 = vector.shape_cast %swap3A_547 : vector<1x16xf32> to vector<16xf32>
      %swap3A_549 = vector.shape_cast %add3A_544 : vector<16xf32> to vector<1x16xf32>
      tpu.vector_store %arg21[%swap3A_545, %swap3A_546], %swap3A_549 {strides = array<i32>} : memref<64x64xf32, #tpu.memory_space<vmem>>, vector<1x16xf32>,
    }
    %scan3A_373 = arith.constant 64 : i32
    %mul3A_374 = arith.constant 256 : i32
    %mul3A_375 = arith.muli %add3A, %mul3A_374 : i32
    %add3A_376 = arith.constant 128 : i32
    %add3A_377 = arith.addi %mul3A_375, %add3A_376 : i32
    "tpu.region"() ({
      %run_scoped3A = tpu.sem_alloc : memref<!tpu.dma_semaphore, #tpu.memory_space<semaphore_mem>>
      %dma_start3A_415 = arith.constant 0 : i32
      %dma_start3A_416 = tpu.memref_slice %arg5[%add3A_377, %dma_start3A_415] : memref<8192x64xf32, #tpu.memory_space<hbm>> -> memref<64x64xf32, #tpu.memory_space<hbm>>
      %dma_start3A_417 = arith.constant 0 : i32
      %dma_start3A_418 = tpu.memref_slice %arg5[%add3A_377, %dma_start3A_417] : memref<8192x64xf32, #tpu.memory_space<hbm>> -> memref<64x64xf32, #tpu.memory_space<hbm>>
      tpu.enqueue_dma source(%arg21 : memref<64x64xf32, #tpu.memory_space<vmem>>) target(%dma_start3A_418 : memref<64x64xf32, #tpu.memory_space<hbm>>) target_semaphore(%run_scoped3A : memref<!tpu.dma_semaphore, #tpu.memory_space<semaphore_mem>>)
      %dma_wait3A_419 = arith.constant 0 : i32
      %dma_wait3A_420 = tpu.memref_slice %arg5[%add3A_377, %dma_wait3A_419] : memref<8192x64xf32, #tpu.memory_space<hbm>> -> memref<64x64xf32, #tpu.memory_space<hbm>>
      %dma_wait3A_421 = arith.constant 0 : i32
      %dma_wait3A_422 = tpu.memref_slice %arg5[%add3A_377, %dma_wait3A_421] : memref<8192x64xf32, #tpu.memory_space<hbm>> -> memref<64x64xf32, #tpu.memory_space<hbm>>
      tpu.wait_dma2 semaphore(%run_scoped3A : memref<!tpu.dma_semaphore, #tpu.memory_space<semaphore_mem>>) src(%arg21 : memref<64x64xf32, #tpu.memory_space<vmem>>) dst(%dma_wait3A_422 : memref<64x64xf32, #tpu.memory_space<hbm>>)
      tpu.yield
    }) : () -> ()
    %dma_wait3A_378 = arith.constant 192 : i32
    %dma_wait3A_379 = tpu.memref_slice %arg6[%dma_wait3A_378] : memref<256xi32, #tpu.memory_space<vmem>> -> memref<64xi32, #tpu.memory_space<vmem>>
    %dma_wait3A_380 = arith.constant 0 : i32
    %dma_wait3A_381 = arith.constant 0 : i32
    %dma_wait3A_382 = tpu.memref_slice %arg2[%dma_wait3A_380, %dma_wait3A_381] : memref<8192x128xf32, #tpu.memory_space<hbm>> -> memref<8192x128xf32, #tpu.memory_space<hbm>>
    tpu.wait_indirect_dma semaphore(%arg22 : memref<!tpu.dma_semaphore, #tpu.memory_space<semaphore_mem>>) src(%dma_wait3A_382 : memref<8192x128xf32, #tpu.memory_space<hbm>>) dst(%arg12 : memref<64x128xf32, #tpu.memory_space<vmem>>)
    %dma_wait3A_383 = arith.constant 0 : i32
    %dma_wait3A_384 = tpu.memref_slice %arg4[%add3A_327, %dma_wait3A_383] : memref<24576x64xf32, #tpu.memory_space<hbm>> -> memref<64x64xf32, #tpu.memory_space<hbm>>
    %dma_wait3A_385 = arith.constant 0 : i32
    %dma_wait3A_386 = tpu.memref_slice %arg4[%add3A_327, %dma_wait3A_385] : memref<24576x64xf32, #tpu.memory_space<hbm>> -> memref<64x64xf32, #tpu.memory_space<hbm>>
    tpu.wait_dma2 semaphore(%arg23 : memref<!tpu.dma_semaphore, #tpu.memory_space<semaphore_mem>>) src(%dma_wait3A_386 : memref<64x64xf32, #tpu.memory_space<hbm>>) dst(%arg18 : memref<64x64xf32, #tpu.memory_space<vmem>>)
    %dma_wait3A_387 = arith.constant 192 : i32
    %dma_wait3A_388 = tpu.memref_slice %arg7[%dma_wait3A_387] : memref<256xi32, #tpu.memory_space<vmem>> -> memref<64xi32, #tpu.memory_space<vmem>>
    %dma_wait3A_389 = arith.constant 0 : i32
    %dma_wait3A_390 = arith.constant 0 : i32
    %dma_wait3A_391 = tpu.memref_slice %arg2[%dma_wait3A_389, %dma_wait3A_390] : memref<8192x128xf32, #tpu.memory_space<hbm>> -> memref<8192x128xf32, #tpu.memory_space<hbm>>
    tpu.wait_indirect_dma semaphore(%arg22 : memref<!tpu.dma_semaphore, #tpu.memory_space<semaphore_mem>>) src(%dma_wait3A_391 : memref<8192x128xf32, #tpu.memory_space<hbm>>) dst(%arg13 : memref<64x128xf32, #tpu.memory_space<vmem>>)
    %dma_wait3A_392 = arith.constant 0 : i32
    %dma_wait3A_393 = tpu.memref_slice %arg4[%add3A_345, %dma_wait3A_392] : memref<24576x64xf32, #tpu.memory_space<hbm>> -> memref<64x64xf32, #tpu.memory_space<hbm>>
    %dma_wait3A_394 = arith.constant 0 : i32
    %dma_wait3A_395 = tpu.memref_slice %arg4[%add3A_345, %dma_wait3A_394] : memref<24576x64xf32, #tpu.memory_space<hbm>> -> memref<64x64xf32, #tpu.memory_space<hbm>>
    tpu.wait_dma2 semaphore(%arg23 : memref<!tpu.dma_semaphore, #tpu.memory_space<semaphore_mem>>) src(%dma_wait3A_395 : memref<64x64xf32, #tpu.memory_space<hbm>>) dst(%arg19 : memref<64x64xf32, #tpu.memory_space<vmem>>)
    %dma_wait3A_396 = arith.constant 192 : i32
    %dma_wait3A_397 = tpu.memref_slice %arg8[%dma_wait3A_396] : memref<256xi32, #tpu.memory_space<vmem>> -> memref<64xi32, #tpu.memory_space<vmem>>
    %dma_wait3A_398 = arith.constant 0 : i32
    %dma_wait3A_399 = arith.constant 0 : i32
    %dma_wait3A_400 = tpu.memref_slice %arg2[%dma_wait3A_398, %dma_wait3A_399] : memref<8192x128xf32, #tpu.memory_space<hbm>> -> memref<8192x128xf32, #tpu.memory_space<hbm>>
    tpu.wait_indirect_dma semaphore(%arg22 : memref<!tpu.dma_semaphore, #tpu.memory_space<semaphore_mem>>) src(%dma_wait3A_400 : memref<8192x128xf32, #tpu.memory_space<hbm>>) dst(%arg14 : memref<64x128xf32, #tpu.memory_space<vmem>>)
    %dma_wait3A_401 = arith.constant 0 : i32
    %dma_wait3A_402 = tpu.memref_slice %arg4[%add3A_363, %dma_wait3A_401] : memref<24576x64xf32, #tpu.memory_space<hbm>> -> memref<64x64xf32, #tpu.memory_space<hbm>>
    %dma_wait3A_403 = arith.constant 0 : i32
    %dma_wait3A_404 = tpu.memref_slice %arg4[%add3A_363, %dma_wait3A_403] : memref<24576x64xf32, #tpu.memory_space<hbm>> -> memref<64x64xf32, #tpu.memory_space<hbm>>
    tpu.wait_dma2 semaphore(%arg23 : memref<!tpu.dma_semaphore, #tpu.memory_space<semaphore_mem>>) src(%dma_wait3A_404 : memref<64x64xf32, #tpu.memory_space<hbm>>) dst(%arg20 : memref<64x64xf32, #tpu.memory_space<vmem>>)
    %scan3A_405 = arith.constant 0 : i32
    %scan3A_406 = arith.constant 0 : i32
    %scan3A_407 = arith.constant 64 : i32
    %scan3A_408 = arith.addi %scan3A_406, %scan3A_407 : i32
    %scan3A_409 = arith.constant 1 : i32
    scf.for %scan3A_415 = %scan3A_406 to %scan3A_408 step %scan3A_409  : i32 {
      %get3A = arith.index_cast %scan3A_415 : i32 to index
      %get3A_416 = arith.constant 0 : index
      %get3A_417 = tpu.vector_load %arg12[%get3A, %get3A_416] {strides = array<i32>} : memref<64x128xf32, #tpu.memory_space<vmem>>, vector<1x16xf32>,
      %get3A_418 = vector.shape_cast %get3A_417 : vector<1x16xf32> to vector<16xf32>
      %get3A_419 = arith.index_cast %scan3A_415 : i32 to index
      %get3A_420 = arith.constant 0 : index
      %get3A_421 = tpu.vector_load %arg18[%get3A_419, %get3A_420] {strides = array<i32>} : memref<64x64xf32, #tpu.memory_space<vmem>>, vector<1x16xf32>,
      %get3A_422 = vector.shape_cast %get3A_421 : vector<1x16xf32> to vector<16xf32>
      %mul3A_423 = arith.mulf %get3A_418, %get3A_422 : vector<16xf32>
      %get3A_424 = arith.index_cast %scan3A_415 : i32 to index
      %get3A_425 = arith.constant 0 : index
      %get3A_426 = tpu.vector_load %arg13[%get3A_424, %get3A_425] {strides = array<i32>} : memref<64x128xf32, #tpu.memory_space<vmem>>, vector<1x16xf32>,
      %get3A_427 = vector.shape_cast %get3A_426 : vector<1x16xf32> to vector<16xf32>
      %get3A_428 = arith.index_cast %scan3A_415 : i32 to index
      %get3A_429 = arith.constant 0 : index
      %get3A_430 = tpu.vector_load %arg19[%get3A_428, %get3A_429] {strides = array<i32>} : memref<64x64xf32, #tpu.memory_space<vmem>>, vector<1x16xf32>,
      %get3A_431 = vector.shape_cast %get3A_430 : vector<1x16xf32> to vector<16xf32>
      %mul3A_432 = arith.mulf %get3A_427, %get3A_431 : vector<16xf32>
      %add3A_433 = arith.addf %mul3A_423, %mul3A_432 : vector<16xf32>
      %get3A_434 = arith.index_cast %scan3A_415 : i32 to index
      %get3A_435 = arith.constant 0 : index
      %get3A_436 = tpu.vector_load %arg14[%get3A_434, %get3A_435] {strides = array<i32>} : memref<64x128xf32, #tpu.memory_space<vmem>>, vector<1x16xf32>,
      %get3A_437 = vector.shape_cast %get3A_436 : vector<1x16xf32> to vector<16xf32>
      %get3A_438 = arith.index_cast %scan3A_415 : i32 to index
      %get3A_439 = arith.constant 0 : index
      %get3A_440 = tpu.vector_load %arg20[%get3A_438, %get3A_439] {strides = array<i32>} : memref<64x64xf32, #tpu.memory_space<vmem>>, vector<1x16xf32>,
      %get3A_441 = vector.shape_cast %get3A_440 : vector<1x16xf32> to vector<16xf32>
      %mul3A_442 = arith.mulf %get3A_437, %get3A_441 : vector<16xf32>
      %add3A_443 = arith.addf %add3A_433, %mul3A_442 : vector<16xf32>
      %swap3A = arith.index_cast %scan3A_415 : i32 to index
      %swap3A_444 = arith.constant 0 : index
      %swap3A_445 = tpu.vector_load %arg21[%swap3A, %swap3A_444] {strides = array<i32>} : memref<64x64xf32, #tpu.memory_space<vmem>>, vector<1x16xf32>,
      %swap3A_446 = vector.shape_cast %swap3A_445 : vector<1x16xf32> to vector<16xf32>
      %swap3A_447 = vector.shape_cast %add3A_443 : vector<16xf32> to vector<1x16xf32>
      tpu.vector_store %arg21[%swap3A, %swap3A_444], %swap3A_447 {strides = array<i32>} : memref<64x64xf32, #tpu.memory_space<vmem>>, vector<1x16xf32>,
      %get3A_448 = arith.index_cast %scan3A_415 : i32 to index
      %get3A_449 = arith.constant 16 : index
      %get3A_450 = tpu.vector_load %arg12[%get3A_448, %get3A_449] {strides = array<i32>} : memref<64x128xf32, #tpu.memory_space<vmem>>, vector<1x16xf32>,
      %get3A_451 = vector.shape_cast %get3A_450 : vector<1x16xf32> to vector<16xf32>
      %get3A_452 = arith.index_cast %scan3A_415 : i32 to index
      %get3A_453 = arith.constant 16 : index
      %get3A_454 = tpu.vector_load %arg18[%get3A_452, %get3A_453] {strides = array<i32>} : memref<64x64xf32, #tpu.memory_space<vmem>>, vector<1x16xf32>,
      %get3A_455 = vector.shape_cast %get3A_454 : vector<1x16xf32> to vector<16xf32>
      %mul3A_456 = arith.mulf %get3A_451, %get3A_455 : vector<16xf32>
      %get3A_457 = arith.index_cast %scan3A_415 : i32 to index
      %get3A_458 = arith.constant 16 : index
      %get3A_459 = tpu.vector_load %arg13[%get3A_457, %get3A_458] {strides = array<i32>} : memref<64x128xf32, #tpu.memory_space<vmem>>, vector<1x16xf32>,
      %get3A_460 = vector.shape_cast %get3A_459 : vector<1x16xf32> to vector<16xf32>
      %get3A_461 = arith.index_cast %scan3A_415 : i32 to index
      %get3A_462 = arith.constant 16 : index
      %get3A_463 = tpu.vector_load %arg19[%get3A_461, %get3A_462] {strides = array<i32>} : memref<64x64xf32, #tpu.memory_space<vmem>>, vector<1x16xf32>,
      %get3A_464 = vector.shape_cast %get3A_463 : vector<1x16xf32> to vector<16xf32>
      %mul3A_465 = arith.mulf %get3A_460, %get3A_464 : vector<16xf32>
      %add3A_466 = arith.addf %mul3A_456, %mul3A_465 : vector<16xf32>
      %get3A_467 = arith.index_cast %scan3A_415 : i32 to index
      %get3A_468 = arith.constant 16 : index
      %get3A_469 = tpu.vector_load %arg14[%get3A_467, %get3A_468] {strides = array<i32>} : memref<64x128xf32, #tpu.memory_space<vmem>>, vector<1x16xf32>,
      %get3A_470 = vector.shape_cast %get3A_469 : vector<1x16xf32> to vector<16xf32>
      %get3A_471 = arith.index_cast %scan3A_415 : i32 to index
      %get3A_472 = arith.constant 16 : index
      %get3A_473 = tpu.vector_load %arg20[%get3A_471, %get3A_472] {strides = array<i32>} : memref<64x64xf32, #tpu.memory_space<vmem>>, vector<1x16xf32>,
      %get3A_474 = vector.shape_cast %get3A_473 : vector<1x16xf32> to vector<16xf32>
      %mul3A_475 = arith.mulf %get3A_470, %get3A_474 : vector<16xf32>
      %add3A_476 = arith.addf %add3A_466, %mul3A_475 : vector<16xf32>
      %swap3A_477 = arith.index_cast %scan3A_415 : i32 to index
      %swap3A_478 = arith.constant 16 : index
      %swap3A_479 = tpu.vector_load %arg21[%swap3A_477, %swap3A_478] {strides = array<i32>} : memref<64x64xf32, #tpu.memory_space<vmem>>, vector<1x16xf32>,
      %swap3A_480 = vector.shape_cast %swap3A_479 : vector<1x16xf32> to vector<16xf32>
      %swap3A_481 = vector.shape_cast %add3A_476 : vector<16xf32> to vector<1x16xf32>
      tpu.vector_store %arg21[%swap3A_477, %swap3A_478], %swap3A_481 {strides = array<i32>} : memref<64x64xf32, #tpu.memory_space<vmem>>, vector<1x16xf32>,
      %get3A_482 = arith.index_cast %scan3A_415 : i32 to index
      %get3A_483 = arith.constant 32 : index
      %get3A_484 = tpu.vector_load %arg12[%get3A_482, %get3A_483] {strides = array<i32>} : memref<64x128xf32, #tpu.memory_space<vmem>>, vector<1x16xf32>,
      %get3A_485 = vector.shape_cast %get3A_484 : vector<1x16xf32> to vector<16xf32>
      %get3A_486 = arith.index_cast %scan3A_415 : i32 to index
      %get3A_487 = arith.constant 32 : index
      %get3A_488 = tpu.vector_load %arg18[%get3A_486, %get3A_487] {strides = array<i32>} : memref<64x64xf32, #tpu.memory_space<vmem>>, vector<1x16xf32>,
      %get3A_489 = vector.shape_cast %get3A_488 : vector<1x16xf32> to vector<16xf32>
      %mul3A_490 = arith.mulf %get3A_485, %get3A_489 : vector<16xf32>
      %get3A_491 = arith.index_cast %scan3A_415 : i32 to index
      %get3A_492 = arith.constant 32 : index
      %get3A_493 = tpu.vector_load %arg13[%get3A_491, %get3A_492] {strides = array<i32>} : memref<64x128xf32, #tpu.memory_space<vmem>>, vector<1x16xf32>,
      %get3A_494 = vector.shape_cast %get3A_493 : vector<1x16xf32> to vector<16xf32>
      %get3A_495 = arith.index_cast %scan3A_415 : i32 to index
      %get3A_496 = arith.constant 32 : index
      %get3A_497 = tpu.vector_load %arg19[%get3A_495, %get3A_496] {strides = array<i32>} : memref<64x64xf32, #tpu.memory_space<vmem>>, vector<1x16xf32>,
      %get3A_498 = vector.shape_cast %get3A_497 : vector<1x16xf32> to vector<16xf32>
      %mul3A_499 = arith.mulf %get3A_494, %get3A_498 : vector<16xf32>
      %add3A_500 = arith.addf %mul3A_490, %mul3A_499 : vector<16xf32>
      %get3A_501 = arith.index_cast %scan3A_415 : i32 to index
      %get3A_502 = arith.constant 32 : index
      %get3A_503 = tpu.vector_load %arg14[%get3A_501, %get3A_502] {strides = array<i32>} : memref<64x128xf32, #tpu.memory_space<vmem>>, vector<1x16xf32>,
      %get3A_504 = vector.shape_cast %get3A_503 : vector<1x16xf32> to vector<16xf32>
      %get3A_505 = arith.index_cast %scan3A_415 : i32 to index
      %get3A_506 = arith.constant 32 : index
      %get3A_507 = tpu.vector_load %arg20[%get3A_505, %get3A_506] {strides = array<i32>} : memref<64x64xf32, #tpu.memory_space<vmem>>, vector<1x16xf32>,
      %get3A_508 = vector.shape_cast %get3A_507 : vector<1x16xf32> to vector<16xf32>
      %mul3A_509 = arith.mulf %get3A_504, %get3A_508 : vector<16xf32>
      %add3A_510 = arith.addf %add3A_500, %mul3A_509 : vector<16xf32>
      %swap3A_511 = arith.index_cast %scan3A_415 : i32 to index
      %swap3A_512 = arith.constant 32 : index
      %swap3A_513 = tpu.vector_load %arg21[%swap3A_511, %swap3A_512] {strides = array<i32>} : memref<64x64xf32, #tpu.memory_space<vmem>>, vector<1x16xf32>,
      %swap3A_514 = vector.shape_cast %swap3A_513 : vector<1x16xf32> to vector<16xf32>
      %swap3A_515 = vector.shape_cast %add3A_510 : vector<16xf32> to vector<1x16xf32>
      tpu.vector_store %arg21[%swap3A_511, %swap3A_512], %swap3A_515 {strides = array<i32>} : memref<64x64xf32, #tpu.memory_space<vmem>>, vector<1x16xf32>,
      %get3A_516 = arith.index_cast %scan3A_415 : i32 to index
      %get3A_517 = arith.constant 48 : index
      %get3A_518 = tpu.vector_load %arg12[%get3A_516, %get3A_517] {strides = array<i32>} : memref<64x128xf32, #tpu.memory_space<vmem>>, vector<1x16xf32>,
      %get3A_519 = vector.shape_cast %get3A_518 : vector<1x16xf32> to vector<16xf32>
      %get3A_520 = arith.index_cast %scan3A_415 : i32 to index
      %get3A_521 = arith.constant 48 : index
      %get3A_522 = tpu.vector_load %arg18[%get3A_520, %get3A_521] {strides = array<i32>} : memref<64x64xf32, #tpu.memory_space<vmem>>, vector<1x16xf32>,
      %get3A_523 = vector.shape_cast %get3A_522 : vector<1x16xf32> to vector<16xf32>
      %mul3A_524 = arith.mulf %get3A_519, %get3A_523 : vector<16xf32>
      %get3A_525 = arith.index_cast %scan3A_415 : i32 to index
      %get3A_526 = arith.constant 48 : index
      %get3A_527 = tpu.vector_load %arg13[%get3A_525, %get3A_526] {strides = array<i32>} : memref<64x128xf32, #tpu.memory_space<vmem>>, vector<1x16xf32>,
      %get3A_528 = vector.shape_cast %get3A_527 : vector<1x16xf32> to vector<16xf32>
      %get3A_529 = arith.index_cast %scan3A_415 : i32 to index
      %get3A_530 = arith.constant 48 : index
      %get3A_531 = tpu.vector_load %arg19[%get3A_529, %get3A_530] {strides = array<i32>} : memref<64x64xf32, #tpu.memory_space<vmem>>, vector<1x16xf32>,
      %get3A_532 = vector.shape_cast %get3A_531 : vector<1x16xf32> to vector<16xf32>
      %mul3A_533 = arith.mulf %get3A_528, %get3A_532 : vector<16xf32>
      %add3A_534 = arith.addf %mul3A_524, %mul3A_533 : vector<16xf32>
      %get3A_535 = arith.index_cast %scan3A_415 : i32 to index
      %get3A_536 = arith.constant 48 : index
      %get3A_537 = tpu.vector_load %arg14[%get3A_535, %get3A_536] {strides = array<i32>} : memref<64x128xf32, #tpu.memory_space<vmem>>, vector<1x16xf32>,
      %get3A_538 = vector.shape_cast %get3A_537 : vector<1x16xf32> to vector<16xf32>
      %get3A_539 = arith.index_cast %scan3A_415 : i32 to index
      %get3A_540 = arith.constant 48 : index
      %get3A_541 = tpu.vector_load %arg20[%get3A_539, %get3A_540] {strides = array<i32>} : memref<64x64xf32, #tpu.memory_space<vmem>>, vector<1x16xf32>,
      %get3A_542 = vector.shape_cast %get3A_541 : vector<1x16xf32> to vector<16xf32>
      %mul3A_543 = arith.mulf %get3A_538, %get3A_542 : vector<16xf32>
      %add3A_544 = arith.addf %add3A_534, %mul3A_543 : vector<16xf32>
      %swap3A_545 = arith.index_cast %scan3A_415 : i32 to index
      %swap3A_546 = arith.constant 48 : index
      %swap3A_547 = tpu.vector_load %arg21[%swap3A_545, %swap3A_546] {strides = array<i32>} : memref<64x64xf32, #tpu.memory_space<vmem>>, vector<1x16xf32>,
      %swap3A_548 = vector.shape_cast %swap3A_547 : vector<1x16xf32> to vector<16xf32>
      %swap3A_549 = vector.shape_cast %add3A_544 : vector<16xf32> to vector<1x16xf32>
      tpu.vector_store %arg21[%swap3A_545, %swap3A_546], %swap3A_549 {strides = array<i32>} : memref<64x64xf32, #tpu.memory_space<vmem>>, vector<1x16xf32>,
    }
    %scan3A_410 = arith.constant 64 : i32
    %mul3A_411 = arith.constant 256 : i32
    %mul3A_412 = arith.muli %add3A, %mul3A_411 : i32
    %add3A_413 = arith.constant 192 : i32
    %add3A_414 = arith.addi %mul3A_412, %add3A_413 : i32
    "tpu.region"() ({
      %run_scoped3A = tpu.sem_alloc : memref<!tpu.dma_semaphore, #tpu.memory_space<semaphore_mem>>
      %dma_start3A_415 = arith.constant 0 : i32
      %dma_start3A_416 = tpu.memref_slice %arg5[%add3A_414, %dma_start3A_415] : memref<8192x64xf32, #tpu.memory_space<hbm>> -> memref<64x64xf32, #tpu.memory_space<hbm>>
      %dma_start3A_417 = arith.constant 0 : i32
      %dma_start3A_418 = tpu.memref_slice %arg5[%add3A_414, %dma_start3A_417] : memref<8192x64xf32, #tpu.memory_space<hbm>> -> memref<64x64xf32, #tpu.memory_space<hbm>>
      tpu.enqueue_dma source(%arg21 : memref<64x64xf32, #tpu.memory_space<vmem>>) target(%dma_start3A_418 : memref<64x64xf32, #tpu.memory_space<hbm>>) target_semaphore(%run_scoped3A : memref<!tpu.dma_semaphore, #tpu.memory_space<semaphore_mem>>)
      %dma_wait3A_419 = arith.constant 0 : i32
      %dma_wait3A_420 = tpu.memref_slice %arg5[%add3A_414, %dma_wait3A_419] : memref<8192x64xf32, #tpu.memory_space<hbm>> -> memref<64x64xf32, #tpu.memory_space<hbm>>
      %dma_wait3A_421 = arith.constant 0 : i32
      %dma_wait3A_422 = tpu.memref_slice %arg5[%add3A_414, %dma_wait3A_421] : memref<8192x64xf32, #tpu.memory_space<hbm>> -> memref<64x64xf32, #tpu.memory_space<hbm>>
      tpu.wait_dma2 semaphore(%run_scoped3A : memref<!tpu.dma_semaphore, #tpu.memory_space<semaphore_mem>>) src(%arg21 : memref<64x64xf32, #tpu.memory_space<vmem>>) dst(%dma_wait3A_422 : memref<64x64xf32, #tpu.memory_space<hbm>>)
      tpu.yield
    }) : () -> ()
    return
  }
}

module attributes {stable_mosaic.version = 14 : i64} {
  func.func @_knn_kernel(%arg0: i32, %arg1: i32, %arg2: memref<1x3x4096xi32, #tpu.memory_space<vmem>>, %arg3: memref<1x1024x3xf32, #tpu.memory_space<vmem>>, %arg4: memref<1x4096x64xf32, #tpu.memory_space<vmem>>, %arg5: memref<64x64xf32, #tpu.memory_space<vmem>>, %arg6: memref<1x1024x3xi32, #tpu.memory_space<vmem>>, %arg7: memref<1x3x1024x64xf32, #tpu.memory_space<vmem>>, %arg8: memref<1x4096x128xf32, #tpu.memory_space<vmem>>) attributes {dimension_semantics = [#tpu.dimension_semantics<arbitrary>, #tpu.dimension_semantics<arbitrary>], iteration_bounds = array<i64: 2, 4>, scalar_prefetch = 0 : i64, scratch_operands = 0 : i64, tpu.core_type = #tpu.core_type<tc>, window_params = [{transform_indices = @transform_0, window_bounds = array<i64: 1, 3, 4096>}, {transform_indices = @transform_1, window_bounds = array<i64: 1, 1024, 3>}, {transform_indices = @transform_2, window_bounds = array<i64: 1, 4096, 64>}, {pipeline_mode = #tpu.pipeline_mode<synchronous>, transform_indices = @transform_3, window_bounds = array<i64: 64, 64>}, {transform_indices = @transform_4, window_bounds = array<i64: 1, 1024, 3>}, {transform_indices = @transform_5, window_bounds = array<i64: 1, 3, 1024, 64>}, {transform_indices = @transform_6, window_bounds = array<i64: 1, 4096, 128>}]} {
    %eq3A = arith.constant 0 : i32
    %eq3A_0 = arith.cmpi eq, %arg1, %eq3A : i32
    %convert_element_type3A = arith.extui %eq3A_0 : i1 to i32
    %cond3A = arith.constant 0 : i32
    %cond3A_1 = arith.cmpi ne, %convert_element_type3A, %cond3A : i32
    scf.if %cond3A_1 {
      %get3A_141 = arith.constant 0 : index
      %get3A_142 = arith.constant 0 : index
      %get3A_143 = arith.constant 0 : index
      %get3A_144 = vector.load %arg4[%get3A_141, %get3A_142, %get3A_143] : memref<1x4096x64xf32, #tpu.memory_space<vmem>>, vector<1x4096x64xf32>
      %get3A_145 = vector.shape_cast %get3A_144 : vector<1x4096x64xf32> to vector<4096x64xf32>
      %get3A_146 = arith.constant 0 : index
      %get3A_147 = arith.constant 0 : index
      %get3A_148 = vector.load %arg5[%get3A_146, %get3A_147] : memref<64x64xf32, #tpu.memory_space<vmem>>, vector<64x64xf32>
      %dot_general3A = arith.constant dense<0.000000e+00> : vector<4096x64xf32>
      %dot_general3A_149 = tpu.matmul %get3A_145, %get3A_148, %dot_general3A {dimension_numbers = #tpu.dot_dimension_numbers<[1], [0], [0], [1], [0, 0, 1, 1], [], []>, transpose_lhs_hint = false} : vector<4096x64xf32>, vector<64x64xf32>, vector<4096x64xf32> -> vector<4096x64xf32>
      %broadcast_in_dim3A_150 = arith.constant 0.000000e+00 : f32
      %broadcast_in_dim3A_151 = vector.broadcast %broadcast_in_dim3A_150 : f32 to vector<4096x64xf32>
      %concatenate3A_152 = tpu.concatenate %dot_general3A_149, %broadcast_in_dim3A_151 in 1 : vector<4096x64xf32>, vector<4096x64xf32> -> vector<4096x128xf32>
      %swap3A_153 = arith.constant 0 : index
      %swap3A_154 = arith.constant 0 : index
      %swap3A_155 = arith.constant 0 : index
      %swap3A_156 = vector.load %arg8[%swap3A_153, %swap3A_154, %swap3A_155] : memref<1x4096x128xf32, #tpu.memory_space<vmem>>, vector<1x4096x128xf32>
      %swap3A_157 = vector.shape_cast %swap3A_156 : vector<1x4096x128xf32> to vector<4096x128xf32>
      %swap3A_158 = vector.shape_cast %concatenate3A_152 : vector<4096x128xf32> to vector<1x4096x128xf32>
      tpu.vector_store %arg8[%swap3A_153, %swap3A_154, %swap3A_155], %swap3A_158 {strides = array<i32>} : memref<1x4096x128xf32, #tpu.memory_space<vmem>>, vector<1x4096x128xf32>,
    } else {
    }
    %get3A = arith.constant 0 : index
    %get3A_2 = arith.constant 0 : index
    %get3A_3 = arith.constant 0 : index
    %get3A_4 = vector.load %arg2[%get3A, %get3A_2, %get3A_3] : memref<1x3x4096xi32, #tpu.memory_space<vmem>>, vector<1x3x4096xi32>
    %get3A_5 = vector.shape_cast %get3A_4 : vector<1x3x4096xi32> to vector<3x4096xi32>
    %convert_element_type3A_6 = arith.sitofp %get3A_5 : vector<3x4096xi32> to vector<3x4096xf32>
    %mul3A = arith.constant 0.00999999977 : f32
    %mul3A_7 = vector.broadcast %mul3A : f32 to vector<3x4096xf32>
    %mul3A_8 = arith.mulf %convert_element_type3A_6, %mul3A_7 : vector<3x4096xf32>
    %get3A_9 = arith.constant 0 : index
    %get3A_10 = arith.constant 0 : index
    %get3A_11 = arith.constant 0 : index
    %get3A_12 = vector.load %arg3[%get3A_9, %get3A_10, %get3A_11] : memref<1x1024x3xf32, #tpu.memory_space<vmem>>, vector<1x1024x3xf32>
    %get3A_13 = vector.shape_cast %get3A_12 : vector<1x1024x3xf32> to vector<1024x3xf32>
    %slice3A = vector.extract_strided_slice %get3A_13 {offsets = [0, 0], sizes = [1024, 1], strides = [1, 1]} : vector<1024x3xf32> to vector<1024x1xf32>
    %slice3A_14 = vector.extract_strided_slice %mul3A_8 {offsets = [0, 0], sizes = [1, 4096], strides = [1, 1]} : vector<3x4096xf32> to vector<1x4096xf32>
    %sub3A = vector.broadcast %slice3A : vector<1024x1xf32> to vector<1024x4096xf32>
    %sub3A_15 = vector.broadcast %slice3A_14 : vector<1x4096xf32> to vector<1024x4096xf32>
    %sub3A_16 = arith.subf %sub3A, %sub3A_15 : vector<1024x4096xf32>
    %integer_pow3A = arith.mulf %sub3A_16, %sub3A_16 : vector<1024x4096xf32>
    %slice3A_17 = vector.extract_strided_slice %get3A_13 {offsets = [0, 1], sizes = [1024, 1], strides = [1, 1]} : vector<1024x3xf32> to vector<1024x1xf32>
    %slice3A_18 = vector.extract_strided_slice %mul3A_8 {offsets = [1, 0], sizes = [1, 4096], strides = [1, 1]} : vector<3x4096xf32> to vector<1x4096xf32>
    %sub3A_19 = vector.broadcast %slice3A_17 : vector<1024x1xf32> to vector<1024x4096xf32>
    %sub3A_20 = vector.broadcast %slice3A_18 : vector<1x4096xf32> to vector<1024x4096xf32>
    %sub3A_21 = arith.subf %sub3A_19, %sub3A_20 : vector<1024x4096xf32>
    %integer_pow3A_22 = arith.mulf %sub3A_21, %sub3A_21 : vector<1024x4096xf32>
    %add3A = arith.addf %integer_pow3A, %integer_pow3A_22 : vector<1024x4096xf32>
    %slice3A_23 = vector.extract_strided_slice %get3A_13 {offsets = [0, 2], sizes = [1024, 1], strides = [1, 1]} : vector<1024x3xf32> to vector<1024x1xf32>
    %slice3A_24 = vector.extract_strided_slice %mul3A_8 {offsets = [2, 0], sizes = [1, 4096], strides = [1, 1]} : vector<3x4096xf32> to vector<1x4096xf32>
    %sub3A_25 = vector.broadcast %slice3A_23 : vector<1024x1xf32> to vector<1024x4096xf32>
    %sub3A_26 = vector.broadcast %slice3A_24 : vector<1x4096xf32> to vector<1024x4096xf32>
    %sub3A_27 = arith.subf %sub3A_25, %sub3A_26 : vector<1024x4096xf32>
    %integer_pow3A_28 = arith.mulf %sub3A_27, %sub3A_27 : vector<1024x4096xf32>
    %add3A_29 = arith.addf %add3A, %integer_pow3A_28 : vector<1024x4096xf32>
    %iota3A = tpu.iota {dimensions = array<i32: 1>} : vector<1024x4096xi32>
    %convert_element_type3A_30 = arith.sitofp %iota3A : vector<1024x4096xi32> to vector<1024x4096xf32>
    %broadcast_in_dim3A = arith.constant 0.000000e+00 : f32
    %broadcast_in_dim3A_31 = vector.broadcast %broadcast_in_dim3A : f32 to vector<1024x1xf32>
    %reduce_min3A = arith.constant dense<0x7F800000> : vector<1024xf32>
    %reduce_min3A_32 = vector.multi_reduction <minimumf>, %add3A_29, %reduce_min3A [1] : vector<1024x4096xf32> to vector<1024xf32>
    %broadcast_in_dim3A_33 = vector.shape_cast %reduce_min3A_32 : vector<1024xf32> to vector<1024x1xf32>
    %eq3A_34 = vector.broadcast %broadcast_in_dim3A_33 : vector<1024x1xf32> to vector<1024x4096xf32>
    %eq3A_35 = arith.cmpf oeq, %add3A_29, %eq3A_34 : vector<1024x4096xf32>
    %jit3A = arith.constant 4.096000e+03 : f32
    %broadcast_in_dim3A_36 = vector.broadcast %jit3A : f32 to vector<1024x4096xf32>
    %select_n3A = arith.select %eq3A_35, %convert_element_type3A_30, %broadcast_in_dim3A_36 : vector<1024x4096xi1>, vector<1024x4096xf32>
    %reduce_min3A_37 = arith.constant dense<0x7F800000> : vector<1024xf32>
    %reduce_min3A_38 = vector.multi_reduction <minimumf>, %select_n3A, %reduce_min3A_37 [1] : vector<1024x4096xf32> to vector<1024xf32>
    %broadcast_in_dim3A_39 = vector.shape_cast %reduce_min3A_38 : vector<1024xf32> to vector<1024x1xf32>
    %add3A_40 = arith.constant 9.99999993E-9 : f32
    %add3A_41 = vector.broadcast %add3A_40 : f32 to vector<1024x1xf32>
    %add3A_42 = arith.addf %broadcast_in_dim3A_33, %add3A_41 : vector<1024x1xf32>
    %div3A = arith.constant 1.000000e+00 : f32
    %div3A_43 = vector.broadcast %div3A : f32 to vector<1024x1xf32>
    %div3A_44 = arith.divf %div3A_43, %add3A_42 : vector<1024x1xf32>
    %add3A_45 = arith.addf %broadcast_in_dim3A_31, %div3A_44 : vector<1024x1xf32>
    %eq3A_46 = vector.broadcast %broadcast_in_dim3A_39 : vector<1024x1xf32> to vector<1024x4096xf32>
    %eq3A_47 = arith.cmpf oeq, %convert_element_type3A_30, %eq3A_46 : vector<1024x4096xf32>
    %jit3A_48 = arith.constant 0x7F800000 : f32
    %broadcast_in_dim3A_49 = vector.broadcast %jit3A_48 : f32 to vector<1024x4096xf32>
    %select_n3A_50 = arith.select %eq3A_47, %broadcast_in_dim3A_49, %add3A_29 : vector<1024x4096xi1>, vector<1024x4096xf32>
    %reduce_min3A_51 = arith.constant dense<0x7F800000> : vector<1024xf32>
    %reduce_min3A_52 = vector.multi_reduction <minimumf>, %select_n3A_50, %reduce_min3A_51 [1] : vector<1024x4096xf32> to vector<1024xf32>
    %broadcast_in_dim3A_53 = vector.shape_cast %reduce_min3A_52 : vector<1024xf32> to vector<1024x1xf32>
    %eq3A_54 = vector.broadcast %broadcast_in_dim3A_53 : vector<1024x1xf32> to vector<1024x4096xf32>
    %eq3A_55 = arith.cmpf oeq, %select_n3A_50, %eq3A_54 : vector<1024x4096xf32>
    %jit3A_56 = arith.constant 4.096000e+03 : f32
    %broadcast_in_dim3A_57 = vector.broadcast %jit3A_56 : f32 to vector<1024x4096xf32>
    %select_n3A_58 = arith.select %eq3A_55, %convert_element_type3A_30, %broadcast_in_dim3A_57 : vector<1024x4096xi1>, vector<1024x4096xf32>
    %reduce_min3A_59 = arith.constant dense<0x7F800000> : vector<1024xf32>
    %reduce_min3A_60 = vector.multi_reduction <minimumf>, %select_n3A_58, %reduce_min3A_59 [1] : vector<1024x4096xf32> to vector<1024xf32>
    %broadcast_in_dim3A_61 = vector.shape_cast %reduce_min3A_60 : vector<1024xf32> to vector<1024x1xf32>
    %add3A_62 = arith.constant 9.99999993E-9 : f32
    %add3A_63 = vector.broadcast %add3A_62 : f32 to vector<1024x1xf32>
    %add3A_64 = arith.addf %broadcast_in_dim3A_53, %add3A_63 : vector<1024x1xf32>
    %div3A_65 = arith.constant 1.000000e+00 : f32
    %div3A_66 = vector.broadcast %div3A_65 : f32 to vector<1024x1xf32>
    %div3A_67 = arith.divf %div3A_66, %add3A_64 : vector<1024x1xf32>
    %add3A_68 = arith.addf %add3A_45, %div3A_67 : vector<1024x1xf32>
    %eq3A_69 = vector.broadcast %broadcast_in_dim3A_61 : vector<1024x1xf32> to vector<1024x4096xf32>
    %eq3A_70 = arith.cmpf oeq, %convert_element_type3A_30, %eq3A_69 : vector<1024x4096xf32>
    %jit3A_71 = arith.constant 0x7F800000 : f32
    %broadcast_in_dim3A_72 = vector.broadcast %jit3A_71 : f32 to vector<1024x4096xf32>
    %select_n3A_73 = arith.select %eq3A_70, %broadcast_in_dim3A_72, %select_n3A_50 : vector<1024x4096xi1>, vector<1024x4096xf32>
    %reduce_min3A_74 = arith.constant dense<0x7F800000> : vector<1024xf32>
    %reduce_min3A_75 = vector.multi_reduction <minimumf>, %select_n3A_73, %reduce_min3A_74 [1] : vector<1024x4096xf32> to vector<1024xf32>
    %broadcast_in_dim3A_76 = vector.shape_cast %reduce_min3A_75 : vector<1024xf32> to vector<1024x1xf32>
    %eq3A_77 = vector.broadcast %broadcast_in_dim3A_76 : vector<1024x1xf32> to vector<1024x4096xf32>
    %eq3A_78 = arith.cmpf oeq, %select_n3A_73, %eq3A_77 : vector<1024x4096xf32>
    %jit3A_79 = arith.constant 4.096000e+03 : f32
    %broadcast_in_dim3A_80 = vector.broadcast %jit3A_79 : f32 to vector<1024x4096xf32>
    %select_n3A_81 = arith.select %eq3A_78, %convert_element_type3A_30, %broadcast_in_dim3A_80 : vector<1024x4096xi1>, vector<1024x4096xf32>
    %reduce_min3A_82 = arith.constant dense<0x7F800000> : vector<1024xf32>
    %reduce_min3A_83 = vector.multi_reduction <minimumf>, %select_n3A_81, %reduce_min3A_82 [1] : vector<1024x4096xf32> to vector<1024xf32>
    %broadcast_in_dim3A_84 = vector.shape_cast %reduce_min3A_83 : vector<1024xf32> to vector<1024x1xf32>
    %add3A_85 = arith.constant 9.99999993E-9 : f32
    %add3A_86 = vector.broadcast %add3A_85 : f32 to vector<1024x1xf32>
    %add3A_87 = arith.addf %broadcast_in_dim3A_76, %add3A_86 : vector<1024x1xf32>
    %div3A_88 = arith.constant 1.000000e+00 : f32
    %div3A_89 = vector.broadcast %div3A_88 : f32 to vector<1024x1xf32>
    %div3A_90 = arith.divf %div3A_89, %add3A_87 : vector<1024x1xf32>
    %add3A_91 = arith.addf %add3A_68, %div3A_90 : vector<1024x1xf32>
    %div3A_92 = arith.constant 1.000000e+00 : f32
    %div3A_93 = vector.broadcast %div3A_92 : f32 to vector<1024x1xf32>
    %div3A_94 = arith.divf %div3A_93, %add3A_91 : vector<1024x1xf32>
    %mul3A_95 = arith.constant 4096 : i32
    %mul3A_96 = arith.muli %arg0, %mul3A_95 : i32
    %convert_element_type3A_97 = arith.fptosi %broadcast_in_dim3A_39 : vector<1024x1xf32> to vector<1024x1xi32>
    %add3A_98 = vector.broadcast %mul3A_96 : i32 to vector<1024x1xi32>
    %add3A_99 = arith.addi %convert_element_type3A_97, %add3A_98 : vector<1024x1xi32>
    %convert_element_type3A_100 = arith.fptosi %broadcast_in_dim3A_61 : vector<1024x1xf32> to vector<1024x1xi32>
    %add3A_101 = vector.broadcast %mul3A_96 : i32 to vector<1024x1xi32>
    %add3A_102 = arith.addi %convert_element_type3A_100, %add3A_101 : vector<1024x1xi32>
    %convert_element_type3A_103 = arith.fptosi %broadcast_in_dim3A_84 : vector<1024x1xf32> to vector<1024x1xi32>
    %add3A_104 = vector.broadcast %mul3A_96 : i32 to vector<1024x1xi32>
    %add3A_105 = arith.addi %convert_element_type3A_103, %add3A_104 : vector<1024x1xi32>
    %concatenate3A = tpu.concatenate %add3A_99, %add3A_102, %add3A_105 in 1 : vector<1024x1xi32>, vector<1024x1xi32>, vector<1024x1xi32> -> vector<1024x3xi32>
    %swap3A = arith.constant 0 : index
    %swap3A_106 = arith.constant 0 : index
    %swap3A_107 = arith.constant 0 : index
    %swap3A_108 = vector.load %arg6[%swap3A, %swap3A_106, %swap3A_107] : memref<1x1024x3xi32, #tpu.memory_space<vmem>>, vector<1x1024x3xi32>
    %swap3A_109 = vector.shape_cast %swap3A_108 : vector<1x1024x3xi32> to vector<1024x3xi32>
    %swap3A_110 = vector.shape_cast %concatenate3A : vector<1024x3xi32> to vector<1x1024x3xi32>
    tpu.vector_store %arg6[%swap3A, %swap3A_106, %swap3A_107], %swap3A_110 {strides = array<i32>} : memref<1x1024x3xi32, #tpu.memory_space<vmem>>, vector<1x1024x3xi32>,
    %mul3A_111 = arith.mulf %div3A_44, %div3A_94 : vector<1024x1xf32>
    %broadcast_in_dim3A_112 = vector.shape_cast %mul3A_111 : vector<1024x1xf32> to vector<1024x1xf32>
    %broadcast_in_dim3A_113 = vector.broadcast %broadcast_in_dim3A_112 : vector<1024x1xf32> to vector<1024x64xf32>
    %swap3A_114 = arith.constant 0 : index
    %swap3A_115 = arith.constant 0 : index
    %swap3A_116 = arith.constant 0 : index
    %swap3A_117 = arith.constant 0 : index
    %swap3A_118 = vector.load %arg7[%swap3A_114, %swap3A_115, %swap3A_116, %swap3A_117] : memref<1x3x1024x64xf32, #tpu.memory_space<vmem>>, vector<1x1x1024x64xf32>
    %swap3A_119 = vector.shape_cast %swap3A_118 : vector<1x1x1024x64xf32> to vector<1024x64xf32>
    %swap3A_120 = vector.shape_cast %broadcast_in_dim3A_113 : vector<1024x64xf32> to vector<1x1x1024x64xf32>
    tpu.vector_store %arg7[%swap3A_114, %swap3A_115, %swap3A_116, %swap3A_117], %swap3A_120 {strides = array<i32>} : memref<1x3x1024x64xf32, #tpu.memory_space<vmem>>, vector<1x1x1024x64xf32>,
    %mul3A_121 = arith.mulf %div3A_67, %div3A_94 : vector<1024x1xf32>
    %broadcast_in_dim3A_122 = vector.shape_cast %mul3A_121 : vector<1024x1xf32> to vector<1024x1xf32>
    %broadcast_in_dim3A_123 = vector.broadcast %broadcast_in_dim3A_122 : vector<1024x1xf32> to vector<1024x64xf32>
    %swap3A_124 = arith.constant 0 : index
    %swap3A_125 = arith.constant 1 : index
    %swap3A_126 = arith.constant 0 : index
    %swap3A_127 = arith.constant 0 : index
    %swap3A_128 = vector.load %arg7[%swap3A_124, %swap3A_125, %swap3A_126, %swap3A_127] : memref<1x3x1024x64xf32, #tpu.memory_space<vmem>>, vector<1x1x1024x64xf32>
    %swap3A_129 = vector.shape_cast %swap3A_128 : vector<1x1x1024x64xf32> to vector<1024x64xf32>
    %swap3A_130 = vector.shape_cast %broadcast_in_dim3A_123 : vector<1024x64xf32> to vector<1x1x1024x64xf32>
    tpu.vector_store %arg7[%swap3A_124, %swap3A_125, %swap3A_126, %swap3A_127], %swap3A_130 {strides = array<i32>} : memref<1x3x1024x64xf32, #tpu.memory_space<vmem>>, vector<1x1x1024x64xf32>,
    %mul3A_131 = arith.mulf %div3A_90, %div3A_94 : vector<1024x1xf32>
    %broadcast_in_dim3A_132 = vector.shape_cast %mul3A_131 : vector<1024x1xf32> to vector<1024x1xf32>
    %broadcast_in_dim3A_133 = vector.broadcast %broadcast_in_dim3A_132 : vector<1024x1xf32> to vector<1024x64xf32>
    %swap3A_134 = arith.constant 0 : index
    %swap3A_135 = arith.constant 2 : index
    %swap3A_136 = arith.constant 0 : index
    %swap3A_137 = arith.constant 0 : index
    %swap3A_138 = vector.load %arg7[%swap3A_134, %swap3A_135, %swap3A_136, %swap3A_137] : memref<1x3x1024x64xf32, #tpu.memory_space<vmem>>, vector<1x1x1024x64xf32>
    %swap3A_139 = vector.shape_cast %swap3A_138 : vector<1x1x1024x64xf32> to vector<1024x64xf32>
    %swap3A_140 = vector.shape_cast %broadcast_in_dim3A_133 : vector<1024x64xf32> to vector<1x1x1024x64xf32>
    tpu.vector_store %arg7[%swap3A_134, %swap3A_135, %swap3A_136, %swap3A_137], %swap3A_140 {strides = array<i32>} : memref<1x3x1024x64xf32, #tpu.memory_space<vmem>>, vector<1x1x1024x64xf32>,
    return
  }
  func.func @transform_0(%arg0: i32, %arg1: i32) -> (i32, i32, i32) {
    %c0_i32 = arith.constant 0 : i32
    %c0_i32_0 = arith.constant 0 : i32
    %c0_i32_1 = arith.constant 0 : i32
    return %arg0, %c0_i32, %c0_i32_0 : i32, i32, i32
  }
  func.func @transform_1(%arg0: i32, %arg1: i32) -> (i32, i32, i32) {
    %c0_i32 = arith.constant 0 : i32
    %c0_i32_0 = arith.constant 0 : i32
    return %arg0, %arg1, %c0_i32 : i32, i32, i32
  }
  func.func @transform_2(%arg0: i32, %arg1: i32) -> (i32, i32, i32) {
    %c0_i32 = arith.constant 0 : i32
    %c0_i32_0 = arith.constant 0 : i32
    %c0_i32_1 = arith.constant 0 : i32
    return %arg0, %c0_i32, %c0_i32_0 : i32, i32, i32
  }
  func.func @transform_3(%arg0: i32, %arg1: i32) -> (i32, i32) {
    %c0_i32 = arith.constant 0 : i32
    %c0_i32_0 = arith.constant 0 : i32
    %c0_i32_1 = arith.constant 0 : i32
    return %c0_i32, %c0_i32_0 : i32, i32
  }
  func.func @transform_4(%arg0: i32, %arg1: i32) -> (i32, i32, i32) {
    %c0_i32 = arith.constant 0 : i32
    %c0_i32_0 = arith.constant 0 : i32
    return %arg0, %arg1, %c0_i32 : i32, i32, i32
  }
  func.func @transform_5(%arg0: i32, %arg1: i32) -> (i32, i32, i32, i32) {
    %c0_i32 = arith.constant 0 : i32
    %c0_i32_0 = arith.constant 0 : i32
    %c0_i32_1 = arith.constant 0 : i32
    return %arg0, %c0_i32, %arg1, %c0_i32_0 : i32, i32, i32, i32
  }
  func.func @transform_6(%arg0: i32, %arg1: i32) -> (i32, i32, i32) {
    %c0_i32 = arith.constant 0 : i32
    %c0_i32_0 = arith.constant 0 : i32
    %c0_i32_1 = arith.constant 0 : i32
    return %arg0, %c0_i32, %c0_i32_0 : i32, i32, i32
  }
}

module attributes {stable_mosaic.version = 14 : i64} {
  func.func @_ln_kernel(%arg0: i32, %arg1: i32, %arg2: memref<1x2048x64xf32, #tpu.memory_space<vmem>>, %arg3: memref<1x64xf32, #tpu.memory_space<vmem>>, %arg4: memref<1x64xf32, #tpu.memory_space<vmem>>, %arg5: memref<1x64x2048xf32, #tpu.memory_space<vmem>>) attributes {dimension_semantics = [#tpu.dimension_semantics<arbitrary>, #tpu.dimension_semantics<arbitrary>], iteration_bounds = array<i64: 2, 2>, scalar_prefetch = 0 : i64, scratch_operands = 0 : i64, tpu.core_type = #tpu.core_type<tc>, window_params = [{transform_indices = @transform_0, window_bounds = array<i64: 1, 2048, 64>}, {pipeline_mode = #tpu.pipeline_mode<synchronous>, transform_indices = @transform_1, window_bounds = array<i64: 1, 64>}, {pipeline_mode = #tpu.pipeline_mode<synchronous>, transform_indices = @transform_2, window_bounds = array<i64: 1, 64>}, {transform_indices = @transform_3, window_bounds = array<i64: 1, 64, 2048>}]} {
    %get3A = arith.constant 0 : index
    %get3A_0 = arith.constant 0 : index
    %get3A_1 = arith.constant 0 : index
    %get3A_2 = vector.load %arg2[%get3A, %get3A_0, %get3A_1] : memref<1x2048x64xf32, #tpu.memory_space<vmem>>, vector<1x2048x64xf32>
    %get3A_3 = vector.shape_cast %get3A_2 : vector<1x2048x64xf32> to vector<2048x64xf32>
    %reduce_sum3A = arith.constant dense<0.000000e+00> : vector<2048xf32>
    %reduce_sum3A_4 = vector.multi_reduction <add>, %get3A_3, %reduce_sum3A [1] : vector<2048x64xf32> to vector<2048xf32>
    %broadcast_in_dim3A = vector.shape_cast %reduce_sum3A_4 : vector<2048xf32> to vector<2048x1xf32>
    %div3A = arith.constant 6.400000e+01 : f32
    %div3A_5 = vector.broadcast %div3A : f32 to vector<2048x1xf32>
    %div3A_6 = arith.divf %broadcast_in_dim3A, %div3A_5 : vector<2048x1xf32>
    %sub3A = vector.broadcast %div3A_6 : vector<2048x1xf32> to vector<2048x64xf32>
    %sub3A_7 = arith.subf %get3A_3, %sub3A : vector<2048x64xf32>
    %mul3A = arith.mulf %sub3A_7, %sub3A_7 : vector<2048x64xf32>
    %reduce_sum3A_8 = arith.constant dense<0.000000e+00> : vector<2048xf32>
    %reduce_sum3A_9 = vector.multi_reduction <add>, %mul3A, %reduce_sum3A_8 [1] : vector<2048x64xf32> to vector<2048xf32>
    %broadcast_in_dim3A_10 = vector.shape_cast %reduce_sum3A_9 : vector<2048xf32> to vector<2048x1xf32>
    %div3A_11 = arith.constant 6.400000e+01 : f32
    %div3A_12 = vector.broadcast %div3A_11 : f32 to vector<2048x1xf32>
    %div3A_13 = arith.divf %broadcast_in_dim3A_10, %div3A_12 : vector<2048x1xf32>
    %add3A = arith.constant 9.99999997E-7 : f32
    %add3A_14 = vector.broadcast %add3A : f32 to vector<2048x1xf32>
    %add3A_15 = arith.addf %div3A_13, %add3A_14 : vector<2048x1xf32>
    %sqrt3A = math.sqrt %add3A_15 : vector<2048x1xf32>
    %div3A_16 = vector.broadcast %sqrt3A : vector<2048x1xf32> to vector<2048x64xf32>
    %div3A_17 = arith.divf %sub3A_7, %div3A_16 : vector<2048x64xf32>
    %get3A_18 = arith.constant 0 : index
    %get3A_19 = arith.constant 0 : index
    %get3A_20 = vector.load %arg3[%get3A_18, %get3A_19] : memref<1x64xf32, #tpu.memory_space<vmem>>, vector<1x64xf32>
    %get3A_21 = vector.shape_cast %get3A_20 : vector<1x64xf32> to vector<64xf32>
    %broadcast_in_dim3A_22 = vector.shape_cast %get3A_21 : vector<64xf32> to vector<1x64xf32>
    %mul3A_23 = vector.broadcast %broadcast_in_dim3A_22 : vector<1x64xf32> to vector<2048x64xf32>
    %mul3A_24 = arith.mulf %div3A_17, %mul3A_23 : vector<2048x64xf32>
    %get3A_25 = arith.constant 0 : index
    %get3A_26 = arith.constant 0 : index
    %get3A_27 = vector.load %arg4[%get3A_25, %get3A_26] : memref<1x64xf32, #tpu.memory_space<vmem>>, vector<1x64xf32>
    %get3A_28 = vector.shape_cast %get3A_27 : vector<1x64xf32> to vector<64xf32>
    %broadcast_in_dim3A_29 = vector.shape_cast %get3A_28 : vector<64xf32> to vector<1x64xf32>
    %add3A_30 = vector.broadcast %broadcast_in_dim3A_29 : vector<1x64xf32> to vector<2048x64xf32>
    %add3A_31 = arith.addf %mul3A_24, %add3A_30 : vector<2048x64xf32>
    %mul3A_32 = arith.constant 5.000000e-01 : f32
    %mul3A_33 = vector.broadcast %mul3A_32 : f32 to vector<2048x64xf32>
    %mul3A_34 = arith.mulf %mul3A_33, %add3A_31 : vector<2048x64xf32>
    %mul3A_35 = arith.constant 0.707106769 : f32
    %mul3A_36 = vector.broadcast %mul3A_35 : f32 to vector<2048x64xf32>
    %mul3A_37 = arith.mulf %add3A_31, %mul3A_36 : vector<2048x64xf32>
    %erf3A = math.erf %mul3A_37 : vector<2048x64xf32>
    %add3A_38 = arith.constant 1.000000e+00 : f32
    %add3A_39 = vector.broadcast %add3A_38 : f32 to vector<2048x64xf32>
    %add3A_40 = arith.addf %add3A_39, %erf3A : vector<2048x64xf32>
    %mul3A_41 = arith.mulf %mul3A_34, %add3A_40 : vector<2048x64xf32>
    %transpose3A = tpu.transpose %mul3A_41, [1, 0] : vector<2048x64xf32> -> vector<64x2048xf32>
    %swap3A = arith.constant 0 : index
    %swap3A_42 = arith.constant 0 : index
    %swap3A_43 = arith.constant 0 : index
    %swap3A_44 = vector.load %arg5[%swap3A, %swap3A_42, %swap3A_43] : memref<1x64x2048xf32, #tpu.memory_space<vmem>>, vector<1x64x2048xf32>
    %swap3A_45 = vector.shape_cast %swap3A_44 : vector<1x64x2048xf32> to vector<64x2048xf32>
    %swap3A_46 = vector.shape_cast %transpose3A : vector<64x2048xf32> to vector<1x64x2048xf32>
    tpu.vector_store %arg5[%swap3A, %swap3A_42, %swap3A_43], %swap3A_46 {strides = array<i32>} : memref<1x64x2048xf32, #tpu.memory_space<vmem>>, vector<1x64x2048xf32>,
    return
  }
  func.func @transform_0(%arg0: i32, %arg1: i32) -> (i32, i32, i32) {
    %c0_i32 = arith.constant 0 : i32
    %c0_i32_0 = arith.constant 0 : i32
    return %arg0, %arg1, %c0_i32 : i32, i32, i32
  }
  func.func @transform_1(%arg0: i32, %arg1: i32) -> (i32, i32) {
    %c0_i32 = arith.constant 0 : i32
    %c0_i32_0 = arith.constant 0 : i32
    %c0_i32_1 = arith.constant 0 : i32
    return %c0_i32, %c0_i32_0 : i32, i32
  }
  func.func @transform_2(%arg0: i32, %arg1: i32) -> (i32, i32) {
    %c0_i32 = arith.constant 0 : i32
    %c0_i32_0 = arith.constant 0 : i32
    %c0_i32_1 = arith.constant 0 : i32
    return %c0_i32, %c0_i32_0 : i32, i32
  }
  func.func @transform_3(%arg0: i32, %arg1: i32) -> (i32, i32, i32) {
    %c0_i32 = arith.constant 0 : i32
    %c0_i32_0 = arith.constant 0 : i32
    return %arg0, %c0_i32, %arg1 : i32, i32, i32
  }
}

</mosaic_0001>

<sc_bundles>
// kernel: kernel.5.cloned.1.call-start
scs
__scs_entry_jumppad:
0x0: {  	(pc) =	sbr.rel $0x88, $3  }
0x1: {  	(tag) =	ssettag $0x0;
	lr =	simm.s32 $0x1  }
0x2: {  	[smem:$0x3F9B] =	sst lr;
	_ =	strace $0xD0000000  }
0x3: {  	_ = 	snop  }
0x4: {  	_ = 	snop  }
0x5: {  	_ = 	snop  }
0x6: {  	_ = 	snop  }
0x7: {  	_ = 	snop  }
__scs_overlays_trampoline_lowered:
0x8: {  	[smem:$0x3FAA] =	sst s0  }
0x9: {  	[smem:$0x3FAB] =	sst s1  }
0xa: {  	[smem:$0x3FAC] =	sst s2  }
0xb: {  	[smem:$0x3FAD] =	sst s3  }
0xc: {  	[smem:$0x3FAE] =	sst s4  }
0xd: {  	[smem:$0x3FAF] =	sst s5  }
0xe: {  	[smem:$0x3FB0] =	sst s6  }
0xf: {  	[smem:$0x3FB1] =	sst s7  }
0x10: {  	[smem:$0x3FB2] =	sst s8  }
0x11: {  	[smem:$0x3FB3] =	sst s9;
	s0 =	simm.s32 @!p0 $0x0  }
0x12: {  	s1 =	sld [smem:$0x3F99];
	s0 =	simm.s32 @p0 $0x1  }
0x13: {  	[smem:$0x3FB4] =	sst s0;
	s0 =	simm.s32 @!p1 $0x0  }
0x14: {  	s2 =	sld [smem:$0x3F98];
	s0 =	simm.s32 @p1 $0x1  }
0x15: {  	[smem:$0x3FB5] =	sst s0;
	s0 =	simm.s32 @!p2 $0x0  }
0x16: {  	s3 =	sld [smem:$0x3FDB];
	s0 =	simm.s32 @p2 $0x1  }
0x17: {  	s4 =	simm.s32 $0x1BF5;
	[smem:$0x3FB7] =	sst s0  }
0x18: {  	s0 =	sld [smem:$0x3F9A];
	_ =	swait.ge [sflag:s4], $0x0  }
0x19: {  	s7 =	sld [smem:$0x3F9B]  }
0x1a: {  	s8 =	sadd.s32 $0xFFFFE003, lr  }
0x1b: {  	s9 =	sadd.s32 $0xFFFFFEF7, lr;
	s5 =	simm.s32 $0xFFFFFFFF;
	p2 =	slt.u32 s8, $0xFFFFF086  }
0x1c: {  	p1 =	slt.u32 s9, $0xF7A;
	s5 =	simm.s32 @!p2 $0x0  }
0x1d: {  	s5 =	simm.s32 @p1 $0x1;
	p0 =	seq.s32 s7, s2  }
0x1e: {  	s7 =	smul.u32 @!p0 $0xF7A, s2;
	p2 =	seq.s32 @!p0 s5, $0x0  }
0x1f: {  	s9 =	smul.u32 $0xF7A, s1;
	s8 =	simm.s32 @!p0 $0x1BF5;
	p2 =	por !p2, p0  }
0x20: {  	[sflag:s8] =	ssyncset.s32 @!p0 $0xFFFFF086;
	s6 =	sadd.s32 @!p0 s3, s7;
	s7 =	simm.s32 @!p0 $0x108  }
0x21: {  	s3 =	sadd.s32 s3, s9;
	s6 =	sadd.s32 @!p0 $0x88, s6;
	s7 =	simm.s32 @p2 $0x1082  }
0x22: {  	[simem:s7], [sflag:s8] =	dma.local @!p0 [hbm:s6], $0xF7A  }
0x23: {  	s9 =	sor.u32 $0xD0000000, s2;
	s6 =	simm.s32 $0x108;
	_ =	swait.ge @!p0 [sflag:s8], $0x0  }
0x24: {  	s3 =	sadd.s32 $0x88, s3;
	s6 =	simm.s32 @!p1 $0x1082;
	[sflag:s4] =	ssyncset.s32 $0xFFFFF086  }
0x25: {  	[simem:s6], [sflag:s4] =	dma.local [hbm:s3], $0xF7A  }
0x26: {  	[smem:$0x3F9B] =	sst s1;
	(tag) =	ssettag s2;
	_ =	strace s9  }
0x27: {  	s1 =	sld [smem:$0x3FAB]  }
0x28: {  	s2 =	sld [smem:$0x3FAC]  }
0x29: {  	s4 =	sld [smem:$0x3FAE]  }
0x2a: {  	p0 =	seq.s32 s5, $0x0;
	s5 =	sld [smem:$0x3FAF]  }
0x2b: {  	s6 =	sld [smem:$0x3FB0]  }
0x2c: {  	s7 =	sld [smem:$0x3FB1]  }
0x2d: {  	s3 =	simm.s32 $0x108;
	s8 =	sld [smem:$0x3FB2]  }
0x2e: {  	s3 =	simm.s32 @!p0 $0x1082;
	s9 =	sld [smem:$0x3FB3]  }
0x2f: {  	lr =	sadd.s32 s0, s3;
	s0 =	sld [smem:$0x3FAA]  }
0x30: {  	s3 =	sld [smem:$0x3FAD]  }
0x31: {  	[smem:$0x3FB6] =	sst s10  }
0x32: {  	s10 =	sld [smem:$0x3FB4];
	_ =	sdelay $0x3  }
0x33: {  	p0 =	seq.s32 s10, $0x1;
	s10 =	sld [smem:$0x3FB6];
	_ =	sdelay $0x3  }
0x34: {  	[smem:$0x3FB6] =	sst s10  }
0x35: {  	s10 =	sld [smem:$0x3FB5];
	_ =	sdelay $0x3  }
0x36: {  	p1 =	seq.s32 s10, $0x1;
	s10 =	sld [smem:$0x3FB6];
	_ =	sdelay $0x3  }
0x37: {  	[smem:$0x3FB6] =	sst s10  }
0x38: {  	s10 =	sld [smem:$0x3FB7]  }
0x39: {  	_ = 	snop;
	(pc) =	sbr.ind lr, $3  }
0x3a: {  	_ = 	snop  }
0x3b: {  	_ = 	snop  }
0x3c: {  	p2 =	seq.s32 s10, $0x1;
	s10 =	sld [smem:$0x3FB6]  }
0x3d: {  	_ =	shalt  }
0x3e: {  	_ =	shalt  }
0x3f: {  	_ =	shalt  }
0x40: {  	_ =	shalt  }
0x41: {  	_ =	shalt  }
0x42: {  	_ =	shalt  }
0x43: {  	_ =	shalt  }
0x44: {  	_ =	shalt  }
0x45: {  	_ =	shalt  }
0x46: {  	_ =	shalt  }
0x47: {  	_ =	shalt  }
0x48: {  	_ =	shalt  }
0x49: {  	_ =	shalt  }
0x4a: {  	_ =	shalt  }
0x4b: {  	_ =	shalt  }
0x4c: {  	_ =	shalt  }
0x4d: {  	_ =	shalt  }
0x4e: {  	_ =	shalt  }
0x4f: {  	_ =	shalt  }
0x50: {  	_ =	shalt  }
0x51: {  	_ =	shalt  }
0x52: {  	_ =	shalt  }
0x53: {  	_ =	shalt  }
0x54: {  	_ =	shalt  }
0x55: {  	_ =	shalt  }
0x56: {  	_ =	shalt  }
0x57: {  	_ =	shalt  }
0x58: {  	_ =	shalt  }
0x59: {  	_ =	shalt  }
0x5a: {  	_ =	shalt  }
0x5b: {  	_ =	shalt  }
0x5c: {  	_ =	shalt  }
0x5d: {  	_ =	shalt  }
0x5e: {  	_ =	shalt  }
0x5f: {  	_ =	shalt  }
0x60: {  	_ =	shalt  }
0x61: {  	_ =	shalt  }
0x62: {  	_ =	shalt  }
0x63: {  	_ =	shalt  }
0x64: {  	_ =	shalt  }
0x65: {  	_ =	shalt  }
0x66: {  	_ =	shalt  }
0x67: {  	_ =	shalt  }
0x68: {  	_ =	shalt  }
0x69: {  	_ =	shalt  }
0x6a: {  	_ =	shalt  }
0x6b: {  	_ =	shalt  }
0x6c: {  	_ =	shalt  }
0x6d: {  	_ =	shalt  }
0x6e: {  	_ =	shalt  }
0x6f: {  	_ =	shalt  }
0x70: {  	_ =	shalt  }
0x71: {  	_ =	shalt  }
0x72: {  	_ =	shalt  }
0x73: {  	_ =	shalt  }
0x74: {  	_ =	shalt  }
0x75: {  	_ =	shalt  }
0x76: {  	_ =	shalt  }
0x77: {  	_ =	shalt  }
0x78: {  	_ =	shalt  }
0x79: {  	_ =	shalt  }
0x7a: {  	_ =	shalt  }
0x7b: {  	_ =	shalt  }
0x7c: {  	_ =	shalt  }
0x7d: {  	_ =	shalt  }
0x7e: {  	_ =	shalt  }
0x7f: {  	_ =	shalt  }
0x80: {  	_ =	shalt  }
0x81: {  	_ =	shalt  }
0x82: {  	_ =	shalt  }
0x83: {  	_ =	shalt  }
0x84: {  	_ =	shalt  }
0x85: {  	_ =	shalt  }
0x86: {  	_ =	shalt  }
0x87: {  	_ =	shalt  }
.Lfunc_end0:
.L_simem_size_0:
called_computation_lowered:
.L_overlay_start_0:
0x88: {  	s2 =	sld [smem:$0x3FD9]  }
0x89: {  	s3 =	sld [smem:$0x3FFE];
	_ =	sdelay $0x1  }
0x8a: {  	s1 =	srdreg.scid  }
0x8b: {  	s0 =	sand.u32 $0x1, s1  }
0x8c: {  	s17 =	sshll.u32 s0, $0xA;
	s2 =	sadd.s32 s3, s2  }
0x8d: {  	s2 =	sadd.s32 s2, s17  }
0x8e: {  	[smem:$0x3FC2] =	sst s2  }
0x8f: {  	_ = 	snop  }
0x90: {  	s2 =	sld [smem:$0x3FD0];
	(tm) =	ssettm $0x1  }
0x91: {  	s18 =	sld [smem:$0x3FFB];
	_ =	sdelay $0x3  }
0x92: {  	_ =	strace s18  }
0x93: {  	s3 =	sld [smem:$0x3FFC];
	_ =	sdelay $0x3  }
0x94: {  	_ =	strace s3  }
0x95: {  	s3 =	sld [smem:$0x3FFD];
	_ =	sdelay $0x3  }
0x96: {  	_ =	strace s3  }
0x97: {  	_ =	strace $0x8FFFFFFF  }
0x98: {  	s19 =	sld [smem:$0x3FDB];
	_ =	sdelay $0x1  }
0x99: {  	s4 =	simm.s32 $_scs_section_size  }
0x9a: {  	s5 =	simm.s32 $_size__tile_overlayer_lowered;
	s6 =	simm.s32 $_tile_overlayer_lowered  }
0x9b: {  	s22 =	simm.s32 $0x1BFF;
	s21 =	sshll.u32 s6, $0x1;
	s3 =	sadd.s32 s4, s19  }
0x9c: {  	s7 =	simm.s32 $0x0;
	s20 =	sshll.u32 s5, $0x1;
	s5 =	sadd.s32 s21, s3  }
0x9d: {  	[timem:s7], [sflag:s22] =	dma.local [hbm:s5], s20  }
0x9e: {  	_ =	swait.ge [sflag:s22], s20  }
0x9f: {  	s4 =	ssub.s32 $0x0, s20;
	[sflag:s22] =	ssyncset.done $0x0  }
0xa0: {  	[sflag:s22] =	ssyncadd.s32 s4;
	_ =	sdelay $0x1  }
0xa1: {  	s23 =	simm.s32 $0x1B8B  }
0xa2: {  	_ =	swait.ge [sflag:s23], $0x1  }
0xa3: {  	[sflag:s23] =	ssyncset.done $0x0  }
0xa4: {  	s25 =	simm.s32 $0x1B8E;
	s24 =	sld [smem:$0x3FFE];
	[sflag:s23] =	ssyncadd.s32 $0xFFFFFFFF  }
0xa5: {  	s26 =	simm.s32 $execute0_lowered;
	[smem:$0x3FD2] =	sst s25  }
0xa6: {  	s5 =	sshll.u32 s26, $0x1;
	_ =	strace $0x80000046;
	[dreg:$0x1] =	wrdreg $0xFFFFFFFF  }
0xa7: {  	s28 =	simm.s32 $_size_execute0_lowered;
	s3 =	sadd.s32 s3, s5;
	[dreg:$0x0] =	wrdreg $0x0  }
0xa8: {  	s5 =	sshll.u32 s28, $0x1;
	[dreg:$0x2] =	wrdreg s3  }
0xa9: {  	[dreg:$0x3] =	wrdreg s5  }
0xaa: {  	[dreg:$0x4] =	wrdreg $0xC0  }
0xab: {  	_ =	task [dreg:s7], $0x5FFFF  }
0xac: {  	[dreg:$0x1] =	wrdreg $0xFFFFFFFF  }
0xad: {  	[dreg:$0x0] =	wrdreg $0x60  }
0xae: {  	[dreg:$0x2] =	wrdreg s24  }
0xaf: {  	[dreg:$0x3] =	wrdreg s2  }
0xb0: {  	[dreg:$0x4] =	wrdreg $0x9  }
0xb1: {  	_ =	task.clear_ibuf [dreg:s7], $0x5FFFF;
	_ =	strace $0x90000046  }
0xb2: {  	s29 =	simm.s32 $0x9;
	_ =	strace $0x80000048  }
0xb3: {  	_ =	swait.ge [sflag:s29], $0x1  }
0xb4: {  	[sflag:s29] =	ssyncadd.s32 $0xFFFFFFFF  }
0xb5: {  	_ =	strace $0x90000048  }
0xb6: {  	_ =	sfence  }
0xb7: {  	s30 =	sld [smem:$0x0];
	_ =	sdelay $0x2  }
0xb8: {  	s31 =	sshll.u32 s1, $0xD;
	s1 =	sshrl.u32 s1, $0x2  }
0xb9: {  	s3 =	sand.u32 $0x4000, s31;
	s1 =	sadd.s32 s1, s30  }
0xba: {  	s0 =	sor.u32 s3, s0;
	s1 =	sshll.u32 s1, $0x11  }
0xbb: {  	s0 =	sor.u32 s1, s0  }
0xbc: {  	s0 =	sadd.s32 $0x8F2B, s0  }
0xbd: {  	[sflag:s0] =	ssyncadd.remote.s32 $0x1  }
0xbe: {  	_ =	sfence.sel $0xFFFF  }
0xbf: {  	[dreg:$0x0] =	wrdreg $0xFFFFFFFF;
	(pc) =	sbr.abs _section_cstart, $3  }
0xc0: {  	[dreg:$0x1] =	wrdreg $0xFFFFFFFF  }
0xc1: {  	_ =	task.clear_ibuf [dreg:s7], $0x2FFFF;
	_ =	strace $0x9FFFFFFF  }
0xc2: {  	(tm) =	ssettm $0x7FFFFFFF  }
0xc3: {  	_ =	shalt  }
tec
execute0_lowered:
.L_overlay_start_1:
0x0: {  	(tag) =	ssettag $0x1  }
0x1: {  	s0 =	rddreg [dreg:$0x0]  }
0x2: {  	s1 =	rddreg [dreg:$0x1]  }
0x3: {  	s2 =	simm.s32 $0x0;
	s3 =	srdreg.scid;
	s6 =	stileid.u32  }
0x4: {  	s28 =	simm.s32 $0x40;
	s29 =	simm.s32 $0x300;
	s30 =	simm.s32 $0xC300  }
0x5: {  	s31 =	simm.s32 $0x2300;
	[smem:$0x7FF] =	sst s2;
	s4 =	sand.u32 $0x1, s3  }
0x6: {  	s5 =	sshll.u32 s6, $0x1;
	s3 =	sadd.s32 $0x61200, s0;
	s6 =	sshrl.u32 s6, $0x3  }
0x7: {  	s7 =	sadd.s32 $0x1200, s0;
	s19 =	sadd.s32 $0x1600, s0;
	s24 =	sadd.s32 $0x1A00, s0  }
0x8: {  	_ =	strace $0x80000047;
	s5 =	sor.u32 s4, s5;
	s6 =	smul.u32 $0x3000, s6  }
0x9: {  	s4 =	ssub.s32 $0x2, s4;
	s8 =	sshll.u32 s5, $0x8;
	s5 =	sshll.u32 s5, $0xC  }
0xa: {  	s9 =	sshrl.u32 s4, $0x1;
	s8 =	sand.u32 $0xF00, s8;
	s5 =	sadd.s32 s5, s0  }
0xb: {  	s4 =	ssub.s32 s4, s9;
	s0 =	sadd.s32 $0x1E00, s0;
	s9 =	simm.s32 $0x8300  }
0xc: {  	s6 =	sor.u32 s6, s8;
	s23 =	sadd.s32 $0x81200, s5;
	s17 =	sadd.s32 $0x81600, s5  }
0xd: {  	s8 =	sshrl.u32 s6, $0x3;
	s25 =	sadd.s32 $0x1000, s6;
	s10 =	sadd.s32 $0x2000, s6  }
0xe: {  	s6 =	sshll.u32 s6, $0x4;
	[dreg:$0xc] =	wrdreg s23;
	s23 =	smax.u32 s4, $0x1  }
0xf: {  	s4 =	simm.s32 $0x10300;
	s8 =	sadd.s32 s1, s8;
	s26 =	sshrl.u32 s25, $0x3  }
0x10: {  	s11 =	sshrl.u32 s10, $0x3;
	s12 =	sadd.s32 s7, s6;
	s13 =	sshll.u32 s25, $0x4  }
0x11: {  	s15 =	sshll.u32 s10, $0x4;
	s20 =	sadd.s32 s6, s19;
	[dreg:$0x3] =	wrdreg s8  }
0x12: {  	s25 =	sadd.s32 s6, s24;
	s18 =	sadd.s32 s6, s0;
	[dreg:$0x6] =	wrdreg s12  }
0x13: {  	s6 =	simm.s32 $0x2;
	s10 =	simm.s32 $0x14300;
	[dreg:$0x9] =	wrdreg s20  }
0x14: {  	s8 =	sadd.s32 s1, s26;
	s1 =	sadd.s32 s1, s11;
	[dreg:$0xd] =	wrdreg s25  }
0x15: {  	s14 =	sadd.s32 s7, s13;
	s7 =	sadd.s32 s7, s15;
	[dreg:$0x4] =	wrdreg s8  }
0x16: {  	s21 =	sadd.s32 s13, s19;
	s22 =	sadd.s32 s15, s19;
	[dreg:$0x5] =	wrdreg s1  }
0x17: {  	s26 =	sadd.s32 s13, s24;
	s16 =	sadd.s32 s15, s24;
	[dreg:$0x7] =	wrdreg s14  }
0x18: {  	s19 =	sadd.s32 s13, s0;
	s20 =	sadd.s32 s15, s0;
	[dreg:$0x8] =	wrdreg s7  }
0x19: {  	s24 =	simm.s32 $0x3;
	s0 =	simm.s32 $0xE300;
	[dreg:$0xa] =	wrdreg s21  }
0x1a: {  	s11 =	simm.s32 $0xA300;
	s12 =	simm.s32 $0x16300;
	[dreg:$0xb] =	wrdreg s22  }
0x1b: {  	s13 =	simm.s32 $0x18300;
	s25 =	simm.s32 $0x0;
	[dreg:$0xe] =	wrdreg s26  }
0x1c: {  	s21 =	sadd.s32 $0x81A00, s5;
	s22 =	sadd.s32 $0x81E00, s5;
	s1 =	simm.s32 $0x4300  }
0x1d: {  	s5 =	simm.s32 $0x1;
	s7 =	simm.s32 $0x6300;
	s8 =	simm.s32 $0x12300  }
.LBB2_1:
0x1e: {  	s14 =	rddreg [dreg:$0x3]  }
0x1f: {  	[tilespmem:s2], [sflag:$0x3] =	stream.linear.gather [hbm4b:s14+s2], $0x100, $0x38;
	[tilespmem:$0x1A300] =	vst v63  }
0x20: {  	_ =	swait.ge [sflag:s24], $0x100  }
0x21: {  	[sflag:s24] =	ssyncset.done $0x0  }
0x22: {  	s15 =	simm.s32 $0x100;
	s26 =	rddreg [dreg:$0x4];
	[sflag:s24] =	ssyncadd.s32 $0xFFFFFF00  }
0x23: {  	[tilespmem:s15], [sflag:$0x3] =	stream.linear.gather [hbm4b:s26+s2], $0x100, $0x38;
	[tilespmem:$0x1A300] =	vst v63  }
0x24: {  	_ =	swait.ge [sflag:s24], $0x100  }
0x25: {  	[sflag:s24] =	ssyncset.done $0x0  }
0x26: {  	s26 =	simm.s32 $0x200;
	s14 =	rddreg [dreg:$0x5];
	[sflag:s24] =	ssyncadd.s32 $0xFFFFFF00  }
0x27: {  	[tilespmem:s26], [sflag:$0x3] =	stream.linear.gather [hbm4b:s14+s2], $0x100, $0x38;
	[tilespmem:$0x1A300] =	vst v63  }
0x28: {  	_ =	swait.ge [sflag:s24], $0x100  }
0x29: {  	[sflag:s24] =	ssyncset.done $0x0  }
0x2a: {  	[sflag:s24] =	ssyncadd.s32 $0xFFFFFF00  }
0x2b: {  	[tilespmem:s29], [sflag:$0x1] =	stream.indirect.gather [hbm4b:s3+s28], $0x80, s2, s28, $0xb8;
	[tilespmem:$0x1A300] =	vst v63  }
0x2c: {  	s14 =	rddreg [dreg:$0x6]  }
0x2d: {  	[tilespmem:s30], [sflag:$0x2] =	stream.linear.gather [hbm4b:s14+s2], $0x2000, $0x38;
	[tilespmem:$0x1A300] =	vst v63  }
0x2e: {  	_ = 	snop  }
0x2f: {  	[tilespmem:s31], [sflag:$0x1] =	stream.indirect.gather [hbm4b:s3+s28], $0x80, s15, s28, $0xb8;
	[tilespmem:$0x1A300] =	vst v63  }
0x30: {  	s15 =	rddreg [dreg:$0x7]  }
0x31: {  	[tilespmem:s0], [sflag:$0x2] =	stream.linear.gather [hbm4b:s15+s2], $0x2000, $0x38;
	[tilespmem:$0x1A300] =	vst v63  }
0x32: {  	_ = 	snop  }
0x33: {  	[tilespmem:s1], [sflag:$0x1] =	stream.indirect.gather [hbm4b:s3+s28], $0x80, s26, s28, $0xb8;
	[tilespmem:$0x1A300] =	vst v63  }
0x34: {  	s15 =	rddreg [dreg:$0x8]  }
0x35: {  	[tilespmem:s4], [sflag:$0x2] =	stream.linear.gather [hbm4b:s15+s2], $0x2000, $0x38;
	[tilespmem:$0x1A300] =	vst v63  }
0x36: {  	_ =	swait.ge [sflag:s5], $0x2000  }
0x37: {  	[sflag:s5] =	ssyncset.done $0x0  }
0x38: {  	[sflag:s5] =	ssyncadd.s32 $0xFFFFE000  }
0x39: {  	_ =	swait.ge [sflag:s6], $0x2000  }
0x3a: {  	[sflag:s6] =	ssyncset.done $0x0  }
0x3b: {  	[sflag:s6] =	ssyncadd.s32 $0xFFFFE000  }
0x3c: {  	_ =	swait.ge [sflag:s5], $0x2000  }
0x3d: {  	[sflag:s5] =	ssyncset.done $0x0  }
0x3e: {  	[sflag:s5] =	ssyncadd.s32 $0xFFFFE000  }
0x3f: {  	_ =	swait.ge [sflag:s6], $0x2000  }
0x40: {  	[sflag:s6] =	ssyncset.done $0x0  }
0x41: {  	[sflag:s6] =	ssyncadd.s32 $0xFFFFE000  }
0x42: {  	_ =	swait.ge [sflag:s5], $0x2000  }
0x43: {  	[sflag:s5] =	ssyncset.done $0x0  }
0x44: {  	[sflag:s5] =	ssyncadd.s32 $0xFFFFE000  }
0x45: {  	_ =	swait.ge [sflag:s6], $0x2000  }
0x46: {  	[sflag:s6] =	ssyncset.done $0x0  }
0x47: {  	[sflag:s6] =	ssyncadd.s32 $0xFFFFE000  }
0x48: {  	[tilespmem:s7], [sflag:$0x1] =	stream.indirect.gather [hbm4b:s3+s28], $0x80, s28, s28, $0xb8;
	[tilespmem:$0x1A300] =	vst v63  }
0x49: {  	s26 =	rddreg [dreg:$0x9]  }
0x4a: {  	[tilespmem:s8], [sflag:$0x2] =	stream.linear.gather [hbm4b:s26+s2], $0x2000, $0x38;
	[tilespmem:$0x1A300] =	vst v63  }
0x4b: {  	s15 =	simm.s32 $0x140  }
0x4c: {  	[tilespmem:s9], [sflag:$0x1] =	stream.indirect.gather [hbm4b:s3+s28], $0x80, s15, s28, $0xb8;
	[tilespmem:$0x1A300] =	vst v63  }
0x4d: {  	s26 =	rddreg [dreg:$0xa]  }
0x4e: {  	[tilespmem:s10], [sflag:$0x2] =	stream.linear.gather [hbm4b:s26+s2], $0x2000, $0x38;
	[tilespmem:$0x1A300] =	vst v63  }
0x4f: {  	s15 =	simm.s32 $0x240  }
0x50: {  	[tilespmem:s11], [sflag:$0x1] =	stream.indirect.gather [hbm4b:s3+s28], $0x80, s15, s28, $0xb8;
	[tilespmem:$0x1A300] =	vst v63  }
0x51: {  	s26 =	rddreg [dreg:$0xb]  }
0x52: {  	[tilespmem:s12], [sflag:$0x2] =	stream.linear.gather [hbm4b:s26+s2], $0x2000, $0x38;
	[tilespmem:$0x1A300] =	vst v63  }
0x53: {  	s26 =	simm.s32 $0x0  }
0x54: {  	v0 =	vld [tilespmem:s26+$0x330]  }
0x55: {  	v1 =	vld [tilespmem:s26+$0xC330]  }
0x56: {  	v2 =	vld [tilespmem:s26+$0x2330]  }
0x57: {  	v3 =	vld [tilespmem:s26+$0xE330]  }
0x58: {  	v4 =	vld [tilespmem:s26+$0x4330]  }
0x59: {  	v5 =	vld [tilespmem:s26+$0x10330]  }
0x5a: {  	v6 =	vld [tilespmem:s26+$0x300]  }
0x5b: {  	v7 =	vld [tilespmem:s26+$0xC300]  }
0x5c: {  	v8 =	vld [tilespmem:s26+$0x2300]  }
0x5d: {  	v9 =	vld [tilespmem:s26+$0xE310]  }
0x5e: {  	v10 =	vld [tilespmem:s26+$0x320]  }
0x5f: {  	v11 =	vld [tilespmem:s26+$0x2320]  }
0x60: {  	v12 =	vld [tilespmem:s26+$0xE320]  }
0x61: {  	v13 =	vld [tilespmem:s26+$0x4300];
	v0 =	vmul.f32 v1, v0;
	v1 =	vmul.f32 v3, v2  }
0x62: {  	v14 =	vld [tilespmem:s26+$0x10300]  }
0x63: {  	v2 =	vld [tilespmem:s26+$0xE300];
	v0 =	vadd.f32 v1, v0;
	v1 =	vmul.f32 v5, v4  }
0x64: {  	v3 =	vld [tilespmem:s26+$0x310]  }
0x65: {  	v4 =	vld [tilespmem:s26+$0xC310];
	v0 =	vadd.f32 v1, v0  }
0x66: {  	v5 =	vld [tilespmem:s26+$0x2310]  }
0x67: {  	[tilespmem:s26+$0x18330] =	vst v0;
	v0 =	vld [tilespmem:s26+$0xC320]  }
0x68: {  	v15 =	vld [tilespmem:s26+$0x4310]  }
0x69: {  	v16 =	vld [tilespmem:s26+$0x10310];
	v6 =	vmul.f32 v7, v6;
	v2 =	vmul.f32 v2, v8  }
0x6a: {  	v1 =	vld [tilespmem:s26+$0x4320];
	v3 =	vmul.f32 v4, v3  }
0x6b: {  	s14 =	simm.s32 $0x80;
	v4 =	vmul.f32 v9, v5;
	v5 =	vld [tilespmem:s26+$0x10320];
	v8 =	vadd.f32 v2, v6;
	v6 =	vmul.f32 v12, v11  }
0x6c: {  	v9 =	vmul.f32 v14, v13;
	v2 =	vld [tilespmem:s14+$0xC330];
	v7 =	vmul.f32 v0, v10  }
0x6d: {  	v4 =	vadd.f32 v4, v3;
	v3 =	vld [tilespmem:s14+$0x2330]  }
0x6e: {  	s15 =	simm.s32 $0x400;
	v0 =	vld [tilespmem:s14+$0x330];
	v6 =	vadd.f32 v6, v7;
	v7 =	vadd.f32 v9, v8;
	v8 =	vmul.f32 v16, v15  }
.LBB2_2:
0x6f: {  	p0 =	sne.s32 s15, $0x7E00;
	v9 =	vld [tilespmem:s14+$0xE330]  }
0x70: {  	v10 =	vld [tilespmem:s14+$0x4330];
	[tilespmem:s26+$0x18300] =	vst v7;
	v4 =	vadd.f32 v8, v4;
	v1 =	vmul.f32 v5, v1  }
0x71: {  	v5 =	vld [tilespmem:s14+$0x10330]  }
0x72: {  	v7 =	vld [tilespmem:s14+$0x300];
	[tilespmem:s26+$0x18310] =	vst v4;
	v1 =	vadd.f32 v1, v6  }
0x73: {  	v4 =	vld [tilespmem:s14+$0xC300]  }
0x74: {  	v0 =	vmul.f32 v2, v0;
	v6 =	vld [tilespmem:s14+$0x2300];
	v2 =	vmul.f32 v9, v3;
	[tilespmem:s26+$0x18320] =	vst v1;
	s26 =	smov.u32 s14  }
0x75: {  	v1 =	vld [tilespmem:s26+$0xE300]  }
0x76: {  	v3 =	vld [tilespmem:s26+$0x310];
	v0 =	vadd.f32 v2, v0;
	v2 =	vmul.f32 v5, v10  }
0x77: {  	v5 =	vld [tilespmem:s26+$0xC310]  }
0x78: {  	v4 =	vmul.f32 v4, v7;
	v7 =	vld [tilespmem:s26+$0x2310];
	v0 =	vadd.f32 v2, v0  }
0x79: {  	v2 =	vld [tilespmem:s26+$0xE310]  }
0x7a: {  	v1 =	vmul.f32 v1, v6;
	v6 =	vld [tilespmem:s26+$0x320];
	[tilespmem:s26+$0x18330] =	vst v0  }
0x7b: {  	v0 =	vld [tilespmem:s26+$0xC320]  }
0x7c: {  	v8 =	vadd.f32 v1, v4;
	v1 =	vmul.f32 v5, v3;
	v3 =	vld [tilespmem:s26+$0x2320]  }
0x7d: {  	v5 =	vld [tilespmem:s26+$0xE320]  }
0x7e: {  	v9 =	vld [tilespmem:s26+$0x4300];
	v2 =	vmul.f32 v2, v7  }
0x7f: {  	v7 =	vld [tilespmem:s26+$0x10300]  }
0x80: {  	v4 =	vadd.f32 v2, v1;
	v10 =	vld [tilespmem:s26+$0x4310];
	v2 =	vmul.f32 v0, v6  }
0x81: {  	v11 =	vld [tilespmem:s26+$0x10310]  }
.Ltmp0:
0x82: {  	v3 =	vmul.f32 v5, v3;
	v1 =	vld [tilespmem:s26+$0x4320];
	(pc) =	sbr.rel @p0 .LBB2_2-.Ltmp0, $4  }
0x83: {  	s14 =	sshra.s32 s15, $0x2;
	v5 =	vld [tilespmem:s26+$0x10320]  }
0x84: {  	v0 =	vld [tilespmem:s14+$0x330];
	v7 =	vmul.f32 v7, v9;
	v6 =	vadd.f32 v3, v2  }
0x85: {  	v2 =	vld [tilespmem:s14+$0xC330]  }
0x86: {  	s15 =	sadd.s32 $0x200, s15;
	v3 =	vld [tilespmem:s14+$0x2330];
	v7 =	vadd.f32 v7, v8;
	v8 =	vmul.f32 v11, v10  }
0x87: {  	v9 =	vld [tilespmem:s14+$0xE330]  }
0x88: {  	v10 =	vld [tilespmem:s14+$0x4330];
	[tilespmem:s26+$0x18300] =	vst v7;
	v4 =	vadd.f32 v8, v4;
	v1 =	vmul.f32 v5, v1  }
0x89: {  	v7 =	vld [tilespmem:s14+$0x10330]  }
0x8a: {  	v5 =	vld [tilespmem:s14+$0x300];
	[tilespmem:s26+$0x18310] =	vst v4;
	v1 =	vadd.f32 v1, v6  }
0x8b: {  	v4 =	vld [tilespmem:s14+$0xC300]  }
0x8c: {  	v6 =	vld [tilespmem:s14+$0x2300];
	[tilespmem:s26+$0x18320] =	vst v1  }
0x8d: {  	v0 =	vmul.f32 v2, v0;
	v2 =	vld [tilespmem:s14+$0xE300]  }
0x8e: {  	v1 =	vmul.f32 v9, v3;
	v3 =	vld [tilespmem:s14+$0x310]  }
0x8f: {  	v8 =	vld [tilespmem:s14+$0x2310]  }
0x90: {  	v9 =	vld [tilespmem:s14+$0x320]  }
0x91: {  	v11 =	vld [tilespmem:s14+$0xE320]  }
0x92: {  	v12 =	vld [tilespmem:s14+$0x4300]  }
0x93: {  	v13 =	vld [tilespmem:s14+$0x10300]  }
0x94: {  	v14 =	vld [tilespmem:s14+$0x4310]  }
0x95: {  	v15 =	vld [tilespmem:s14+$0x10310];
	v0 =	vadd.f32 v1, v0;
	v1 =	vmul.f32 v7, v10  }
0x96: {  	v7 =	vld [tilespmem:s14+$0xC310]  }
0x97: {  	v10 =	vld [tilespmem:s14+$0x2320];
	v0 =	vadd.f32 v1, v0  }
0x98: {  	v1 =	vld [tilespmem:s14+$0xE310]  }
0x99: {  	[tilespmem:s14+$0x18330] =	vst v0;
	v0 =	vld [tilespmem:s14+$0xC320]  }
0x9a: {  	v16 =	vld [tilespmem:s14+$0x4320]  }
0x9b: {  	v4 =	vmul.f32 v4, v5;
	v5 =	vld [tilespmem:s14+$0x10320]  }
0x9c: {  	v2 =	vmul.f32 v2, v6;
	v6 =	vmul.f32 v13, v12  }
0x9d: {  	v3 =	vmul.f32 v7, v3;
	v1 =	vmul.f32 v1, v8  }
0x9e: {  	v2 =	vadd.f32 v2, v4;
	v4 =	vmul.f32 v11, v10;
	v0 =	vmul.f32 v0, v9  }
0x9f: {  	v1 =	vadd.f32 v1, v3;
	v3 =	vmul.f32 v15, v14  }
0xa0: {  	v2 =	vadd.f32 v6, v2;
	v0 =	vadd.f32 v4, v0;
	v4 =	vmul.f32 v5, v16  }
0xa1: {  	v1 =	vadd.f32 v3, v1  }
0xa2: {  	[tilespmem:s14+$0x18300] =	vst v2;
	v0 =	vadd.f32 v4, v0  }
0xa3: {  	[tilespmem:s14+$0x18310] =	vst v1  }
0xa4: {  	s15 =	rddreg [dreg:$0xc];
	[tilespmem:s14+$0x18320] =	vst v0;
	s14 =	simm.s32 $0x0  }
0xa5: {  	[hbm4b:s15+s14] =	stream.linear.scatter [tilespmem:s13], [sflag:$0x3], $0x2000, $0x38;
	[tilespmem:$0x1A300] =	vst v63  }
0xa6: {  	_ =	swait.ge [sflag:s24], $0x2000  }
0xa7: {  	[sflag:s24] =	ssyncset.done $0x0  }
0xa8: {  	[sflag:s24] =	ssyncadd.s32 $0xFFFFE000  }
0xa9: {  	_ =	swait.ge [sflag:s5], $0x2000  }
0xaa: {  	[sflag:s5] =	ssyncset.done $0x0  }
0xab: {  	[sflag:s5] =	ssyncadd.s32 $0xFFFFE000  }
0xac: {  	_ =	swait.ge [sflag:s6], $0x2000  }
0xad: {  	[sflag:s6] =	ssyncset.done $0x0  }
0xae: {  	[sflag:s6] =	ssyncadd.s32 $0xFFFFE000  }
0xaf: {  	_ =	swait.ge [sflag:s5], $0x2000  }
0xb0: {  	[sflag:s5] =	ssyncset.done $0x0  }
0xb1: {  	[sflag:s5] =	ssyncadd.s32 $0xFFFFE000  }
0xb2: {  	_ =	swait.ge [sflag:s6], $0x2000  }
0xb3: {  	[sflag:s6] =	ssyncset.done $0x0  }
0xb4: {  	[sflag:s6] =	ssyncadd.s32 $0xFFFFE000  }
0xb5: {  	_ =	swait.ge [sflag:s5], $0x2000  }
0xb6: {  	[sflag:s5] =	ssyncset.done $0x0  }
0xb7: {  	[sflag:s5] =	ssyncadd.s32 $0xFFFFE000  }
0xb8: {  	_ =	swait.ge [sflag:s6], $0x2000  }
0xb9: {  	[sflag:s6] =	ssyncset.done $0x0  }
0xba: {  	s26 =	simm.s32 $0x80;
	[sflag:s6] =	ssyncadd.s32 $0xFFFFE000  }
0xbb: {  	[tilespmem:s29], [sflag:$0x1] =	stream.indirect.gather [hbm4b:s3+s28], $0x80, s26, s28, $0xb8;
	[tilespmem:$0x1A300] =	vst v63  }
0xbc: {  	s26 =	rddreg [dreg:$0xd]  }
0xbd: {  	[tilespmem:s30], [sflag:$0x2] =	stream.linear.gather [hbm4b:s26+s14], $0x2000, $0x38;
	[tilespmem:$0x1A300] =	vst v63  }
0xbe: {  	s26 =	simm.s32 $0x180  }
0xbf: {  	[tilespmem:s31], [sflag:$0x1] =	stream.indirect.gather [hbm4b:s3+s28], $0x80, s26, s28, $0xb8;
	[tilespmem:$0x1A300] =	vst v63  }
0xc0: {  	s26 =	rddreg [dreg:$0xe]  }
0xc1: {  	[tilespmem:s0], [sflag:$0x2] =	stream.linear.gather [hbm4b:s26+s14], $0x2000, $0x38;
	[tilespmem:$0x1A300] =	vst v63  }
0xc2: {  	s26 =	simm.s32 $0x280  }
0xc3: {  	[tilespmem:s1], [sflag:$0x1] =	stream.indirect.gather [hbm4b:s3+s28], $0x80, s26, s28, $0xb8;
	[tilespmem:$0x1A300] =	vst v63  }
0xc4: {  	s26 =	simm.s32 $0x0  }
0xc5: {  	[tilespmem:s4], [sflag:$0x2] =	stream.linear.gather [hbm4b:s16+s14], $0x2000, $0x38;
	[tilespmem:$0x1A300] =	vst v63  }
0xc6: {  	v0 =	vld [tilespmem:s26+$0x6330]  }
0xc7: {  	v1 =	vld [tilespmem:s26+$0x12330]  }
0xc8: {  	v2 =	vld [tilespmem:s26+$0x8330]  }
0xc9: {  	v3 =	vld [tilespmem:s26+$0x14330]  }
0xca: {  	v4 =	vld [tilespmem:s26+$0xA330]  }
0xcb: {  	v5 =	vld [tilespmem:s26+$0x16330]  }
0xcc: {  	v6 =	vld [tilespmem:s26+$0x6300]  }
0xcd: {  	v7 =	vld [tilespmem:s26+$0x12300]  }
0xce: {  	v8 =	vld [tilespmem:s26+$0x8300]  }
0xcf: {  	v9 =	vld [tilespmem:s26+$0x14310]  }
0xd0: {  	v10 =	vld [tilespmem:s26+$0x6320]  }
0xd1: {  	v11 =	vld [tilespmem:s26+$0x8320]  }
0xd2: {  	v59 =	vld [tilespmem:s26+$0x14320]  }
0xd3: {  	v60 =	vld [tilespmem:s26+$0xA300];
	v0 =	vmul.f32 v1, v0;
	v1 =	vmul.f32 v3, v2  }
0xd4: {  	v61 =	vld [tilespmem:s26+$0x16300]  }
0xd5: {  	v2 =	vld [tilespmem:s26+$0x14300];
	v0 =	vadd.f32 v1, v0;
	v1 =	vmul.f32 v5, v4  }
0xd6: {  	v3 =	vld [tilespmem:s26+$0x6310]  }
0xd7: {  	v4 =	vld [tilespmem:s26+$0x12310];
	v0 =	vadd.f32 v1, v0  }
0xd8: {  	v5 =	vld [tilespmem:s26+$0x8310]  }
0xd9: {  	[tilespmem:s26+$0x18330] =	vst v0;
	v0 =	vld [tilespmem:s26+$0x12320]  }
0xda: {  	v62 =	vld [tilespmem:s26+$0xA310]  }
0xdb: {  	v63 =	vld [tilespmem:s26+$0x16310];
	v6 =	vmul.f32 v7, v6;
	v2 =	vmul.f32 v2, v8  }
0xdc: {  	v1 =	vld [tilespmem:s26+$0xA320];
	v3 =	vmul.f32 v4, v3  }
0xdd: {  	s14 =	simm.s32 $0x80;
	v4 =	vmul.f32 v9, v5;
	v5 =	vld [tilespmem:s26+$0x16320];
	v8 =	vadd.f32 v2, v6;
	v6 =	vmul.f32 v59, v11  }
0xde: {  	v9 =	vmul.f32 v61, v60;
	v2 =	vld [tilespmem:s14+$0x12330];
	v7 =	vmul.f32 v0, v10  }
0xdf: {  	v4 =	vadd.f32 v4, v3;
	v3 =	vld [tilespmem:s14+$0x8330]  }
0xe0: {  	s15 =	simm.s32 $0x400;
	v0 =	vld [tilespmem:s14+$0x6330];
	v6 =	vadd.f32 v6, v7;
	v7 =	vadd.f32 v9, v8;
	v8 =	vmul.f32 v63, v62  }
.LBB2_4:
0xe1: {  	p0 =	sne.s32 s15, $0x7E00;
	v9 =	vld [tilespmem:s14+$0x14330]  }
0xe2: {  	v10 =	vld [tilespmem:s14+$0xA330];
	[tilespmem:s26+$0x18300] =	vst v7;
	v4 =	vadd.f32 v8, v4;
	v1 =	vmul.f32 v5, v1  }
0xe3: {  	v5 =	vld [tilespmem:s14+$0x16330]  }
0xe4: {  	v7 =	vld [tilespmem:s14+$0x6300];
	[tilespmem:s26+$0x18310] =	vst v4;
	v1 =	vadd.f32 v1, v6  }
0xe5: {  	v4 =	vld [tilespmem:s14+$0x12300]  }
0xe6: {  	v0 =	vmul.f32 v2, v0;
	v6 =	vld [tilespmem:s14+$0x8300];
	v2 =	vmul.f32 v9, v3;
	[tilespmem:s26+$0x18320] =	vst v1;
	s26 =	smov.u32 s14  }
0xe7: {  	v1 =	vld [tilespmem:s26+$0x14300]  }
0xe8: {  	v3 =	vld [tilespmem:s26+$0x6310];
	v0 =	vadd.f32 v2, v0;
	v2 =	vmul.f32 v5, v10  }
0xe9: {  	v5 =	vld [tilespmem:s26+$0x12310]  }
0xea: {  	v4 =	vmul.f32 v4, v7;
	v7 =	vld [tilespmem:s26+$0x8310];
	v0 =	vadd.f32 v2, v0  }
0xeb: {  	v2 =	vld [tilespmem:s26+$0x14310]  }
0xec: {  	v1 =	vmul.f32 v1, v6;
	v6 =	vld [tilespmem:s26+$0x6320];
	[tilespmem:s26+$0x18330] =	vst v0  }
0xed: {  	v0 =	vld [tilespmem:s26+$0x12320]  }
0xee: {  	v8 =	vadd.f32 v1, v4;
	v1 =	vmul.f32 v5, v3;
	v3 =	vld [tilespmem:s26+$0x8320]  }
0xef: {  	v5 =	vld [tilespmem:s26+$0x14320]  }
0xf0: {  	v9 =	vld [tilespmem:s26+$0xA300];
	v2 =	vmul.f32 v2, v7  }
0xf1: {  	v7 =	vld [tilespmem:s26+$0x16300]  }
0xf2: {  	v4 =	vadd.f32 v2, v1;
	v10 =	vld [tilespmem:s26+$0xA310];
	v2 =	vmul.f32 v0, v6  }
0xf3: {  	v11 =	vld [tilespmem:s26+$0x16310]  }
.Ltmp1:
0xf4: {  	v3 =	vmul.f32 v5, v3;
	v1 =	vld [tilespmem:s26+$0xA320];
	(pc) =	sbr.rel @p0 .LBB2_4-.Ltmp1, $4  }
0xf5: {  	s14 =	sshra.s32 s15, $0x2;
	v5 =	vld [tilespmem:s26+$0x16320]  }
0xf6: {  	v0 =	vld [tilespmem:s14+$0x6330];
	v7 =	vmul.f32 v7, v9;
	v6 =	vadd.f32 v3, v2  }
0xf7: {  	v2 =	vld [tilespmem:s14+$0x12330]  }
0xf8: {  	s15 =	sadd.s32 $0x200, s15;
	v3 =	vld [tilespmem:s14+$0x8330];
	v7 =	vadd.f32 v7, v8;
	v8 =	vmul.f32 v11, v10  }
0xf9: {  	v9 =	vld [tilespmem:s14+$0x14330]  }
0xfa: {  	v10 =	vld [tilespmem:s14+$0xA330];
	[tilespmem:s26+$0x18300] =	vst v7;
	v4 =	vadd.f32 v8, v4;
	v1 =	vmul.f32 v5, v1  }
0xfb: {  	v7 =	vld [tilespmem:s14+$0x16330]  }
0xfc: {  	v5 =	vld [tilespmem:s14+$0x6300];
	[tilespmem:s26+$0x18310] =	vst v4;
	v1 =	vadd.f32 v1, v6  }
0xfd: {  	v4 =	vld [tilespmem:s14+$0x12300]  }
0xfe: {  	v6 =	vld [tilespmem:s14+$0x8300];
	[tilespmem:s26+$0x18320] =	vst v1  }
0xff: {  	v0 =	vmul.f32 v2, v0;
	v2 =	vld [tilespmem:s14+$0x14300]  }
0x100: {  	v1 =	vmul.f32 v9, v3;
	v3 =	vld [tilespmem:s14+$0x6310]  }
0x101: {  	v8 =	vld [tilespmem:s14+$0x8310]  }
0x102: {  	v9 =	vld [tilespmem:s14+$0x6320]  }
0x103: {  	v11 =	vld [tilespmem:s14+$0x14320]  }
0x104: {  	v12 =	vld [tilespmem:s14+$0xA300]  }
0x105: {  	v13 =	vld [tilespmem:s14+$0x16300]  }
0x106: {  	v14 =	vld [tilespmem:s14+$0xA310]  }
0x107: {  	v15 =	vld [tilespmem:s14+$0x16310];
	v0 =	vadd.f32 v1, v0;
	v1 =	vmul.f32 v7, v10  }
0x108: {  	v7 =	vld [tilespmem:s14+$0x12310]  }
0x109: {  	v10 =	vld [tilespmem:s14+$0x8320];
	v0 =	vadd.f32 v1, v0  }
0x10a: {  	v1 =	vld [tilespmem:s14+$0x14310]  }
0x10b: {  	[tilespmem:s14+$0x18330] =	vst v0;
	v0 =	vld [tilespmem:s14+$0x12320]  }
0x10c: {  	v16 =	vld [tilespmem:s14+$0xA320]  }
0x10d: {  	v4 =	vmul.f32 v4, v5;
	v5 =	vld [tilespmem:s14+$0x16320]  }
0x10e: {  	v2 =	vmul.f32 v2, v6;
	v6 =	vmul.f32 v13, v12  }
0x10f: {  	v3 =	vmul.f32 v7, v3;
	v1 =	vmul.f32 v1, v8  }
0x110: {  	v2 =	vadd.f32 v2, v4;
	v4 =	vmul.f32 v11, v10;
	v0 =	vmul.f32 v0, v9  }
0x111: {  	v1 =	vadd.f32 v1, v3;
	v3 =	vmul.f32 v15, v14  }
0x112: {  	v2 =	vadd.f32 v6, v2;
	v0 =	vadd.f32 v4, v0;
	v4 =	vmul.f32 v5, v16  }
0x113: {  	v1 =	vadd.f32 v3, v1  }
0x114: {  	[tilespmem:s14+$0x18300] =	vst v2;
	v0 =	vadd.f32 v4, v0  }
0x115: {  	[tilespmem:s14+$0x18310] =	vst v1  }
0x116: {  	[tilespmem:s14+$0x18320] =	vst v0;
	s14 =	simm.s32 $0x0  }
0x117: {  	[hbm4b:s17+s14] =	stream.linear.scatter [tilespmem:s13], [sflag:$0x3], $0x2000, $0x38;
	[tilespmem:$0x1A300] =	vst v63  }
0x118: {  	_ =	swait.ge [sflag:s24], $0x2000  }
0x119: {  	[sflag:s24] =	ssyncset.done $0x0  }
0x11a: {  	[sflag:s24] =	ssyncadd.s32 $0xFFFFE000  }
0x11b: {  	_ =	swait.ge [sflag:s5], $0x2000  }
0x11c: {  	[sflag:s5] =	ssyncset.done $0x0  }
0x11d: {  	[sflag:s5] =	ssyncadd.s32 $0xFFFFE000  }
0x11e: {  	_ =	swait.ge [sflag:s6], $0x2000  }
0x11f: {  	[sflag:s6] =	ssyncset.done $0x0  }
0x120: {  	[sflag:s6] =	ssyncadd.s32 $0xFFFFE000  }
0x121: {  	_ =	swait.ge [sflag:s5], $0x2000  }
0x122: {  	[sflag:s5] =	ssyncset.done $0x0  }
0x123: {  	[sflag:s5] =	ssyncadd.s32 $0xFFFFE000  }
0x124: {  	_ =	swait.ge [sflag:s6], $0x2000  }
0x125: {  	[sflag:s6] =	ssyncset.done $0x0  }
0x126: {  	[sflag:s6] =	ssyncadd.s32 $0xFFFFE000  }
0x127: {  	_ =	swait.ge [sflag:s5], $0x2000  }
0x128: {  	[sflag:s5] =	ssyncset.done $0x0  }
0x129: {  	[sflag:s5] =	ssyncadd.s32 $0xFFFFE000  }
0x12a: {  	_ =	swait.ge [sflag:s6], $0x2000  }
0x12b: {  	[sflag:s6] =	ssyncset.done $0x0  }
0x12c: {  	s15 =	simm.s32 $0xC0;
	[sflag:s6] =	ssyncadd.s32 $0xFFFFE000  }
0x12d: {  	[tilespmem:s7], [sflag:$0x1] =	stream.indirect.gather [hbm4b:s3+s28], $0x80, s15, s28, $0xb8;
	[tilespmem:$0x1A300] =	vst v63  }
0x12e: {  	_ = 	snop  }
0x12f: {  	[tilespmem:s8], [sflag:$0x2] =	stream.linear.gather [hbm4b:s18+s14], $0x2000, $0x38;
	[tilespmem:$0x1A300] =	vst v63  }
0x130: {  	s26 =	simm.s32 $0x1C0  }
0x131: {  	[tilespmem:s9], [sflag:$0x1] =	stream.indirect.gather [hbm4b:s3+s28], $0x80, s26, s28, $0xb8;
	[tilespmem:$0x1A300] =	vst v63  }
0x132: {  	_ = 	snop  }
0x133: {  	[tilespmem:s10], [sflag:$0x2] =	stream.linear.gather [hbm4b:s19+s14], $0x2000, $0x38;
	[tilespmem:$0x1A300] =	vst v63  }
0x134: {  	s26 =	simm.s32 $0x2C0  }
0x135: {  	[tilespmem:s11], [sflag:$0x1] =	stream.indirect.gather [hbm4b:s3+s28], $0x80, s26, s28, $0xb8;
	[tilespmem:$0x1A300] =	vst v63  }
0x136: {  	s26 =	simm.s32 $0x0  }
0x137: {  	[tilespmem:s12], [sflag:$0x2] =	stream.linear.gather [hbm4b:s20+s14], $0x2000, $0x38;
	[tilespmem:$0x1A300] =	vst v63  }
0x138: {  	v0 =	vld [tilespmem:s26+$0x330]  }
0x139: {  	v1 =	vld [tilespmem:s26+$0xC330]  }
0x13a: {  	v2 =	vld [tilespmem:s26+$0x2330]  }
0x13b: {  	v3 =	vld [tilespmem:s26+$0xE330]  }
0x13c: {  	v4 =	vld [tilespmem:s26+$0x4330]  }
0x13d: {  	v5 =	vld [tilespmem:s26+$0x10330]  }
0x13e: {  	v6 =	vld [tilespmem:s26+$0x300]  }
0x13f: {  	v7 =	vld [tilespmem:s26+$0xC300]  }
0x140: {  	v8 =	vld [tilespmem:s26+$0x2300]  }
0x141: {  	v9 =	vld [tilespmem:s26+$0xE310]  }
0x142: {  	v10 =	vld [tilespmem:s26+$0x320]  }
0x143: {  	v11 =	vld [tilespmem:s26+$0x2320]  }
0x144: {  	v59 =	vld [tilespmem:s26+$0xE320]  }
0x145: {  	v60 =	vld [tilespmem:s26+$0x4300];
	v0 =	vmul.f32 v1, v0;
	v1 =	vmul.f32 v3, v2  }
0x146: {  	v61 =	vld [tilespmem:s26+$0x10300]  }
0x147: {  	v2 =	vld [tilespmem:s26+$0xE300];
	v0 =	vadd.f32 v1, v0;
	v1 =	vmul.f32 v5, v4  }
0x148: {  	v3 =	vld [tilespmem:s26+$0x310]  }
0x149: {  	v4 =	vld [tilespmem:s26+$0xC310];
	v0 =	vadd.f32 v1, v0  }
0x14a: {  	v5 =	vld [tilespmem:s26+$0x2310]  }
0x14b: {  	[tilespmem:s26+$0x18330] =	vst v0;
	v0 =	vld [tilespmem:s26+$0xC320]  }
0x14c: {  	v62 =	vld [tilespmem:s26+$0x4310]  }
0x14d: {  	v63 =	vld [tilespmem:s26+$0x10310];
	v6 =	vmul.f32 v7, v6;
	v2 =	vmul.f32 v2, v8  }
0x14e: {  	v1 =	vld [tilespmem:s26+$0x4320];
	v3 =	vmul.f32 v4, v3  }
0x14f: {  	s14 =	simm.s32 $0x80;
	v4 =	vmul.f32 v9, v5;
	v5 =	vld [tilespmem:s26+$0x10320];
	v8 =	vadd.f32 v2, v6;
	v6 =	vmul.f32 v59, v11  }
0x150: {  	v9 =	vmul.f32 v61, v60;
	v2 =	vld [tilespmem:s14+$0xC330];
	v7 =	vmul.f32 v0, v10  }
0x151: {  	v4 =	vadd.f32 v4, v3;
	v3 =	vld [tilespmem:s14+$0x2330]  }
0x152: {  	s15 =	simm.s32 $0x400;
	v0 =	vld [tilespmem:s14+$0x330];
	v6 =	vadd.f32 v6, v7;
	v7 =	vadd.f32 v9, v8;
	v8 =	vmul.f32 v63, v62  }
.LBB2_6:
0x153: {  	p0 =	sne.s32 s15, $0x7E00;
	v9 =	vld [tilespmem:s14+$0xE330]  }
0x154: {  	v10 =	vld [tilespmem:s14+$0x4330];
	[tilespmem:s26+$0x18300] =	vst v7;
	v4 =	vadd.f32 v8, v4;
	v1 =	vmul.f32 v5, v1  }
0x155: {  	v5 =	vld [tilespmem:s14+$0x10330]  }
0x156: {  	v7 =	vld [tilespmem:s14+$0x300];
	[tilespmem:s26+$0x18310] =	vst v4;
	v1 =	vadd.f32 v1, v6  }
0x157: {  	v4 =	vld [tilespmem:s14+$0xC300]  }
0x158: {  	v0 =	vmul.f32 v2, v0;
	v6 =	vld [tilespmem:s14+$0x2300];
	v2 =	vmul.f32 v9, v3;
	[tilespmem:s26+$0x18320] =	vst v1;
	s26 =	smov.u32 s14  }
0x159: {  	v1 =	vld [tilespmem:s26+$0xE300]  }
0x15a: {  	v3 =	vld [tilespmem:s26+$0x310];
	v0 =	vadd.f32 v2, v0;
	v2 =	vmul.f32 v5, v10  }
0x15b: {  	v5 =	vld [tilespmem:s26+$0xC310]  }
0x15c: {  	v4 =	vmul.f32 v4, v7;
	v7 =	vld [tilespmem:s26+$0x2310];
	v0 =	vadd.f32 v2, v0  }
0x15d: {  	v2 =	vld [tilespmem:s26+$0xE310]  }
0x15e: {  	v1 =	vmul.f32 v1, v6;
	v6 =	vld [tilespmem:s26+$0x320];
	[tilespmem:s26+$0x18330] =	vst v0  }
0x15f: {  	v0 =	vld [tilespmem:s26+$0xC320]  }
0x160: {  	v8 =	vadd.f32 v1, v4;
	v1 =	vmul.f32 v5, v3;
	v3 =	vld [tilespmem:s26+$0x2320]  }
0x161: {  	v5 =	vld [tilespmem:s26+$0xE320]  }
0x162: {  	v9 =	vld [tilespmem:s26+$0x4300];
	v2 =	vmul.f32 v2, v7  }
0x163: {  	v7 =	vld [tilespmem:s26+$0x10300]  }
0x164: {  	v4 =	vadd.f32 v2, v1;
	v10 =	vld [tilespmem:s26+$0x4310];
	v2 =	vmul.f32 v0, v6  }
0x165: {  	v11 =	vld [tilespmem:s26+$0x10310]  }
.Ltmp2:
0x166: {  	v3 =	vmul.f32 v5, v3;
	v1 =	vld [tilespmem:s26+$0x4320];
	(pc) =	sbr.rel @p0 .LBB2_6-.Ltmp2, $4  }
0x167: {  	s14 =	sshra.s32 s15, $0x2;
	v5 =	vld [tilespmem:s26+$0x10320]  }
0x168: {  	v0 =	vld [tilespmem:s14+$0x330];
	v7 =	vmul.f32 v7, v9;
	v6 =	vadd.f32 v3, v2  }
0x169: {  	v2 =	vld [tilespmem:s14+$0xC330]  }
0x16a: {  	s15 =	sadd.s32 $0x200, s15;
	v3 =	vld [tilespmem:s14+$0x2330];
	v7 =	vadd.f32 v7, v8;
	v8 =	vmul.f32 v11, v10  }
0x16b: {  	v9 =	vld [tilespmem:s14+$0xE330]  }
0x16c: {  	v10 =	vld [tilespmem:s14+$0x4330];
	[tilespmem:s26+$0x18300] =	vst v7;
	v4 =	vadd.f32 v8, v4;
	v1 =	vmul.f32 v5, v1  }
0x16d: {  	v7 =	vld [tilespmem:s14+$0x10330]  }
0x16e: {  	v5 =	vld [tilespmem:s14+$0x300];
	[tilespmem:s26+$0x18310] =	vst v4;
	v1 =	vadd.f32 v1, v6  }
0x16f: {  	v4 =	vld [tilespmem:s14+$0xC300]  }
0x170: {  	v6 =	vld [tilespmem:s14+$0x2300];
	[tilespmem:s26+$0x18320] =	vst v1  }
0x171: {  	v0 =	vmul.f32 v2, v0;
	v2 =	vld [tilespmem:s14+$0xE300]  }
0x172: {  	v1 =	vmul.f32 v9, v3;
	v3 =	vld [tilespmem:s14+$0x310]  }
0x173: {  	v8 =	vld [tilespmem:s14+$0x2310]  }
0x174: {  	v9 =	vld [tilespmem:s14+$0x320]  }
0x175: {  	v11 =	vld [tilespmem:s14+$0xE320]  }
0x176: {  	v12 =	vld [tilespmem:s14+$0x4300]  }
0x177: {  	v13 =	vld [tilespmem:s14+$0x10300]  }
0x178: {  	v14 =	vld [tilespmem:s14+$0x4310]  }
0x179: {  	v15 =	vld [tilespmem:s14+$0x10310];
	v0 =	vadd.f32 v1, v0;
	v1 =	vmul.f32 v7, v10  }
0x17a: {  	v7 =	vld [tilespmem:s14+$0xC310]  }
0x17b: {  	v10 =	vld [tilespmem:s14+$0x2320];
	v0 =	vadd.f32 v1, v0  }
0x17c: {  	v1 =	vld [tilespmem:s14+$0xE310]  }
0x17d: {  	[tilespmem:s14+$0x18330] =	vst v0;
	v0 =	vld [tilespmem:s14+$0xC320]  }
0x17e: {  	v16 =	vld [tilespmem:s14+$0x4320]  }
0x17f: {  	v4 =	vmul.f32 v4, v5;
	v5 =	vld [tilespmem:s14+$0x10320]  }
0x180: {  	v2 =	vmul.f32 v2, v6;
	v6 =	vmul.f32 v13, v12  }
0x181: {  	v3 =	vmul.f32 v7, v3;
	v1 =	vmul.f32 v1, v8  }
0x182: {  	v2 =	vadd.f32 v2, v4;
	v4 =	vmul.f32 v11, v10;
	v0 =	vmul.f32 v0, v9  }
0x183: {  	v1 =	vadd.f32 v1, v3;
	v3 =	vmul.f32 v15, v14  }
0x184: {  	v2 =	vadd.f32 v6, v2;
	v0 =	vadd.f32 v4, v0;
	v4 =	vmul.f32 v5, v16  }
0x185: {  	v1 =	vadd.f32 v3, v1  }
0x186: {  	[tilespmem:s14+$0x18300] =	vst v2;
	v0 =	vadd.f32 v4, v0  }
0x187: {  	[tilespmem:s14+$0x18310] =	vst v1  }
0x188: {  	s26 =	simm.s32 $0x0;
	[tilespmem:s14+$0x18320] =	vst v0  }
0x189: {  	[hbm4b:s21+s26] =	stream.linear.scatter [tilespmem:s13], [sflag:$0x3], $0x2000, $0x38;
	[tilespmem:$0x1A300] =	vst v63  }
0x18a: {  	_ =	swait.ge [sflag:s24], $0x2000  }
0x18b: {  	[sflag:s24] =	ssyncset.done $0x0  }
0x18c: {  	[sflag:s24] =	ssyncadd.s32 $0xFFFFE000  }
0x18d: {  	_ =	swait.ge [sflag:s5], $0x2000  }
0x18e: {  	[sflag:s5] =	ssyncset.done $0x0  }
0x18f: {  	[sflag:s5] =	ssyncadd.s32 $0xFFFFE000  }
0x190: {  	_ =	swait.ge [sflag:s6], $0x2000  }
0x191: {  	[sflag:s6] =	ssyncset.done $0x0  }
0x192: {  	[sflag:s6] =	ssyncadd.s32 $0xFFFFE000  }
0x193: {  	_ =	swait.ge [sflag:s5], $0x2000  }
0x194: {  	[sflag:s5] =	ssyncset.done $0x0  }
0x195: {  	[sflag:s5] =	ssyncadd.s32 $0xFFFFE000  }
0x196: {  	_ =	swait.ge [sflag:s6], $0x2000  }
0x197: {  	[sflag:s6] =	ssyncset.done $0x0  }
0x198: {  	[sflag:s6] =	ssyncadd.s32 $0xFFFFE000  }
0x199: {  	_ =	swait.ge [sflag:s5], $0x2000  }
0x19a: {  	[sflag:s5] =	ssyncset.done $0x0  }
0x19b: {  	[sflag:s5] =	ssyncadd.s32 $0xFFFFE000  }
0x19c: {  	_ =	swait.ge [sflag:s6], $0x2000  }
0x19d: {  	[sflag:s6] =	ssyncset.done $0x0  }
0x19e: {  	s26 =	simm.s32 $0x0;
	[sflag:s6] =	ssyncadd.s32 $0xFFFFE000  }
0x19f: {  	v0 =	vld [tilespmem:s26+$0x6330]  }
0x1a0: {  	v1 =	vld [tilespmem:s26+$0x12330]  }
0x1a1: {  	v2 =	vld [tilespmem:s26+$0x8330]  }
0x1a2: {  	v3 =	vld [tilespmem:s26+$0x14330]  }
0x1a3: {  	v4 =	vld [tilespmem:s26+$0xA330]  }
0x1a4: {  	v5 =	vld [tilespmem:s26+$0x16330]  }
0x1a5: {  	v6 =	vld [tilespmem:s26+$0x6300]  }
0x1a6: {  	v7 =	vld [tilespmem:s26+$0x12300]  }
0x1a7: {  	v8 =	vld [tilespmem:s26+$0x8300]  }
0x1a8: {  	v9 =	vld [tilespmem:s26+$0x14310]  }
0x1a9: {  	v10 =	vld [tilespmem:s26+$0x6320]  }
0x1aa: {  	v11 =	vld [tilespmem:s26+$0x8320]  }
0x1ab: {  	v59 =	vld [tilespmem:s26+$0x14320]  }
0x1ac: {  	v60 =	vld [tilespmem:s26+$0xA300];
	v0 =	vmul.f32 v1, v0;
	v1 =	vmul.f32 v3, v2  }
0x1ad: {  	v61 =	vld [tilespmem:s26+$0x16300]  }
0x1ae: {  	v2 =	vld [tilespmem:s26+$0x14300];
	v0 =	vadd.f32 v1, v0;
	v1 =	vmul.f32 v5, v4  }
0x1af: {  	v3 =	vld [tilespmem:s26+$0x6310]  }
0x1b0: {  	v4 =	vld [tilespmem:s26+$0x12310];
	v0 =	vadd.f32 v1, v0  }
0x1b1: {  	v5 =	vld [tilespmem:s26+$0x8310]  }
0x1b2: {  	[tilespmem:s26+$0x18330] =	vst v0;
	v0 =	vld [tilespmem:s26+$0x12320]  }
0x1b3: {  	v62 =	vld [tilespmem:s26+$0xA310]  }
0x1b4: {  	v63 =	vld [tilespmem:s26+$0x16310];
	v6 =	vmul.f32 v7, v6;
	v2 =	vmul.f32 v2, v8  }
0x1b5: {  	v1 =	vld [tilespmem:s26+$0xA320];
	v3 =	vmul.f32 v4, v3  }
0x1b6: {  	s14 =	simm.s32 $0x80;
	v4 =	vmul.f32 v9, v5;
	v5 =	vld [tilespmem:s26+$0x16320];
	v8 =	vadd.f32 v2, v6;
	v6 =	vmul.f32 v59, v11  }
0x1b7: {  	v9 =	vmul.f32 v61, v60;
	v2 =	vld [tilespmem:s14+$0x12330];
	v7 =	vmul.f32 v0, v10  }
0x1b8: {  	v4 =	vadd.f32 v4, v3;
	v3 =	vld [tilespmem:s14+$0x8330]  }
0x1b9: {  	s15 =	simm.s32 $0x400;
	v0 =	vld [tilespmem:s14+$0x6330];
	v6 =	vadd.f32 v6, v7;
	v7 =	vadd.f32 v9, v8;
	v8 =	vmul.f32 v63, v62  }
.LBB2_8:
0x1ba: {  	p0 =	sne.s32 s15, $0x7E00;
	v9 =	vld [tilespmem:s14+$0x14330]  }
0x1bb: {  	v10 =	vld [tilespmem:s14+$0xA330];
	[tilespmem:s26+$0x18300] =	vst v7;
	v4 =	vadd.f32 v8, v4;
	v1 =	vmul.f32 v5, v1  }
0x1bc: {  	v5 =	vld [tilespmem:s14+$0x16330]  }
0x1bd: {  	v7 =	vld [tilespmem:s14+$0x6300];
	[tilespmem:s26+$0x18310] =	vst v4;
	v1 =	vadd.f32 v1, v6  }
0x1be: {  	v4 =	vld [tilespmem:s14+$0x12300]  }
0x1bf: {  	v0 =	vmul.f32 v2, v0;
	v6 =	vld [tilespmem:s14+$0x8300];
	v2 =	vmul.f32 v9, v3;
	[tilespmem:s26+$0x18320] =	vst v1;
	s26 =	smov.u32 s14  }
0x1c0: {  	v1 =	vld [tilespmem:s26+$0x14300]  }
0x1c1: {  	v3 =	vld [tilespmem:s26+$0x6310];
	v0 =	vadd.f32 v2, v0;
	v2 =	vmul.f32 v5, v10  }
0x1c2: {  	v5 =	vld [tilespmem:s26+$0x12310]  }
0x1c3: {  	v4 =	vmul.f32 v4, v7;
	v7 =	vld [tilespmem:s26+$0x8310];
	v0 =	vadd.f32 v2, v0  }
0x1c4: {  	v2 =	vld [tilespmem:s26+$0x14310]  }
0x1c5: {  	v1 =	vmul.f32 v1, v6;
	v6 =	vld [tilespmem:s26+$0x6320];
	[tilespmem:s26+$0x18330] =	vst v0  }
0x1c6: {  	v0 =	vld [tilespmem:s26+$0x12320]  }
0x1c7: {  	v8 =	vadd.f32 v1, v4;
	v1 =	vmul.f32 v5, v3;
	v3 =	vld [tilespmem:s26+$0x8320]  }
0x1c8: {  	v5 =	vld [tilespmem:s26+$0x14320]  }
0x1c9: {  	v9 =	vld [tilespmem:s26+$0xA300];
	v2 =	vmul.f32 v2, v7  }
0x1ca: {  	v7 =	vld [tilespmem:s26+$0x16300]  }
0x1cb: {  	v4 =	vadd.f32 v2, v1;
	v10 =	vld [tilespmem:s26+$0xA310];
	v2 =	vmul.f32 v0, v6  }
0x1cc: {  	v11 =	vld [tilespmem:s26+$0x16310]  }
.Ltmp3:
0x1cd: {  	v3 =	vmul.f32 v5, v3;
	v1 =	vld [tilespmem:s26+$0xA320];
	(pc) =	sbr.rel @p0 .LBB2_8-.Ltmp3, $4  }
0x1ce: {  	s14 =	sshra.s32 s15, $0x2;
	v5 =	vld [tilespmem:s26+$0x16320]  }
0x1cf: {  	v0 =	vld [tilespmem:s14+$0x6330];
	v7 =	vmul.f32 v7, v9;
	v6 =	vadd.f32 v3, v2  }
0x1d0: {  	v2 =	vld [tilespmem:s14+$0x12330]  }
0x1d1: {  	s15 =	sadd.s32 $0x200, s15;
	v3 =	vld [tilespmem:s14+$0x8330];
	v7 =	vadd.f32 v7, v8;
	v8 =	vmul.f32 v11, v10  }
0x1d2: {  	v9 =	vld [tilespmem:s14+$0x14330]  }
0x1d3: {  	v10 =	vld [tilespmem:s14+$0xA330];
	[tilespmem:s26+$0x18300] =	vst v7;
	v4 =	vadd.f32 v8, v4;
	v1 =	vmul.f32 v5, v1  }
0x1d4: {  	v7 =	vld [tilespmem:s14+$0x16330]  }
0x1d5: {  	v47 =	vld [tilespmem:s14+$0x6300];
	[tilespmem:s26+$0x18310] =	vst v4;
	v1 =	vadd.f32 v1, v6  }
0x1d6: {  	v4 =	vld [tilespmem:s14+$0x12300]  }
0x1d7: {  	v48 =	vld [tilespmem:s14+$0x8300];
	[tilespmem:s26+$0x18320] =	vst v1  }
0x1d8: {  	v50 =	vld [tilespmem:s14+$0x14300]  }
0x1d9: {  	v51 =	vld [tilespmem:s14+$0x6310]  }
0x1da: {  	v53 =	vld [tilespmem:s14+$0x12310]  }
0x1db: {  	v54 =	vld [tilespmem:s14+$0x8310]  }
0x1dc: {  	v55 =	vld [tilespmem:s14+$0x14310]  }
0x1dd: {  	v56 =	vld [tilespmem:s14+$0x6320]  }
0x1de: {  	v57 =	vld [tilespmem:s14+$0x12320]  }
0x1df: {  	v58 =	vld [tilespmem:s14+$0x8320]  }
0x1e0: {  	v11 =	vld [tilespmem:s14+$0x14320]  }
0x1e1: {  	v12 =	vld [tilespmem:s14+$0xA300]  }
0x1e2: {  	v0 =	vmul.f32 v2, v0;
	v49 =	vmul.f32 v9, v3;
	v13 =	vld [tilespmem:s14+$0x16300]  }
0x1e3: {  	v14 =	vld [tilespmem:s14+$0xA310]  }
0x1e4: {  	v15 =	vld [tilespmem:s14+$0x16310];
	v0 =	vadd.f32 v49, v0;
	v52 =	vmul.f32 v7, v10  }
0x1e5: {  	v16 =	vld [tilespmem:s14+$0xA320]  }
0x1e6: {  	v59 =	vld [tilespmem:s14+$0x16320];
	v0 =	vadd.f32 v52, v0;
	v4 =	vmul.f32 v4, v47  }
0x1e7: {  	v2 =	vmul.f32 v50, v48;
	v3 =	vmul.f32 v53, v51  }
0x1e8: {  	[tilespmem:s14+$0x18330] =	vst v0;
	v1 =	vmul.f32 v55, v54;
	v0 =	vmul.f32 v57, v56  }
0x1e9: {  	v60 =	vmul.f32 v11, v58;
	v61 =	vmul.f32 v13, v12;
	v2 =	vadd.f32 v2, v4  }
0x1ea: {  	v62 =	vmul.f32 v15, v14;
	v1 =	vadd.f32 v1, v3  }
0x1eb: {  	v63 =	vmul.f32 v59, v16;
	v0 =	vadd.f32 v60, v0;
	v2 =	vadd.f32 v61, v2  }
0x1ec: {  	v1 =	vadd.f32 v62, v1  }
0x1ed: {  	s25 =	sadd.s32 $0x1, s25;
	v0 =	vadd.f32 v63, v0;
	[tilespmem:s14+$0x18300] =	vst v2  }
0x1ee: {  	p0 =	sne.s32 s25, s23;
	[tilespmem:s14+$0x18310] =	vst v1  }
.Ltmp4:
0x1ef: {  	[tilespmem:s14+$0x18320] =	vst v0;
	(pc) =	sbr.rel @p0 .LBB2_1-.Ltmp4, $4  }
0x1f0: {  	[hbm4b:s22+s2] =	stream.linear.scatter [tilespmem:s13], [sflag:$0x3], $0x2000, $0x38;
	[tilespmem:$0x1A300] =	vst v63  }
0x1f1: {  	_ =	swait.ge [sflag:s24], $0x2000  }
0x1f2: {  	[sflag:s24] =	ssyncset.done $0x0  }
0x1f3: {  	[sflag:s24] =	ssyncadd.s32 $0xFFFFE000  }
0x1f4: {  	_ =	sfence.sel $0x180000  }
0x1f5: {  	[bflag:$0x0] =	sbarrier.arrive $0xFFFF  }
0x1f6: {  	_ =	strace $0x90000047  }
0x1f7: {  	s0 =	stileid.u32;
	[bflag:$0x2] =	sbarrier.arrive $0xFFFF  }
0x1f8: {  	p0 =	sne.s32 s0, $0x0;
	s0 =	rddreg [dreg:$0x2]  }
0x1f9: {  	s0 =	sadd.s32 @!p0 $0x100000, s0  }
0x1fa: {  	[sflag:s0] =	ssyncadd.tile.s32 @!p0 $0x1;
	_ =	shalt  }
.Lfunc_end2:
_tile_overlayer_lowered:
.L_overlay_start_2:
0x1fb: {  	(tag) =	ssettag $0x2  }
0x1fc: {  	s0 =	rddreg [dreg:$0x0];
	s2 =	stileid.u32  }
0x1fd: {  	s1 =	rddreg [dreg:$0x1];
	p0 =	sne.s32 s2, $0x0  }
0x1fe: {  	s3 =	rddreg [dreg:$0x2];
	[bflag:$0x3] =	sbarrier.arrive $0xFFFF;
	s2 =	simm.s32 @!p0 $0x1C03  }
0x1ff: {  	[timem:s3], [sflag:s2] =	dma.local @!p0 [hbm:s0], s1  }
0x200: {  	s0 =	simm.s32 @!p0 $0x3  }
0x201: {  	_ =	swait.ge @!p0 [sflag:s0], s1  }
0x202: {  	s1 =	ssub.s32 @!p0 $0x0, s1;
	[sflag:s0] =	ssyncset.done @!p0 $0x0  }
0x203: {  	[sflag:s0] =	ssyncadd.s32 @!p0 s1  }
0x204: {  	[bflag:$0x3] =	sbarrier.arrive $0xFFFF  }
0x205: {  	_ =	shalt  }

</sc_bundles>
